<compile_context>
chip_gen: v7x
topology: tpu7x:2x2x1
jax: 0.10.2.dev20260603
libtpu: 0.0.44.dev20260713+nightly
codegen_flags: <defaults>
</compile_context>

<pallas_src>
import functools

import jax
import jax.numpy as jnp
from jax import lax
from jax.experimental import pallas as pl
from jax.experimental.pallas import tpu as pltpu
from jax.experimental.pallas import tpu_sc as plsc


def _project_body(emb_ref, w_ref, b_ref, out_ref):
    out_ref[...] = lax.dot_general(
        emb_ref[...], w_ref[...],
        (((1,), (1,)), ((), ())),
        preferred_element_type=jnp.float32,
    ) + b_ref[...]


def _project_table(emb_weight, W, b):
    m = emb_weight.shape[0]
    return pl.pallas_call(
        _project_body,
        out_shape=jax.ShapeDtypeStruct((m, W.shape[0]), jnp.float32),
    )(emb_weight, W, b.reshape(1, -1))


@functools.lru_cache(maxsize=None)
def _make_gather(B, V, D, NC, NS, b_per_w, C, NBUF):
    n_chunks = b_per_w // C
    n_groups = n_chunks // NBUF
    odd = n_groups % 2 == 1
    n_pairs = n_groups // 2
    mesh = plsc.VectorSubcoreMesh(
        core_axis_name="c", subcore_axis_name="s",
        num_cores=NC, num_subcores=NS)

    @functools.partial(
        pl.kernel,
        out_type=jax.ShapeDtypeStruct((B, D), jnp.float32),
        mesh=mesh,
        scratch_types=[
            pltpu.VMEM_SHARED((V, D), jnp.float32),
            pltpu.VMEM((b_per_w,), jnp.int32),
            pltpu.VMEM((2, NBUF, C, D), jnp.float32),
        ] + [pltpu.SemaphoreType.DMA] * (4 * NBUF),
    )
    def gather_k(table_hbm, idx_hbm, out_hbm, shared_tab, idx_v, rows_v,
                 *sems):
        gsem = (sems[:NBUF], sems[NBUF:2 * NBUF])
        ssem = (sems[2 * NBUF:3 * NBUF], sems[3 * NBUF:])
        sid = lax.axis_index("s")
        wid = sid * NC + lax.axis_index("c")
        base = wid * b_per_w

        @pl.when(sid == 0)
        def _():
            pltpu.sync_copy(table_hbm, shared_tab)

        pltpu.sync_copy(idx_hbm.at[pl.ds(base, b_per_w)], idx_v)
        plsc.subcore_barrier()

        def fire_gather(grp, k, s):
            off = (grp * NBUF + k) * C
            pltpu.async_copy(
                shared_tab.at[idx_v.at[pl.ds(off, C)]],
                rows_v.at[s, k], gsem[s][k])

        def fire_store(grp, k, s):
            off = (grp * NBUF + k) * C
            pltpu.async_copy(
                rows_v.at[s, k], out_hbm.at[pl.ds(base + off, C)],
                ssem[s][k])

        def drain(sem, s, k):
            pltpu.make_async_copy(
                out_hbm.at[pl.ds(0, C)], rows_v.at[s, k], sem).wait()

        for k in range(NBUF):
            fire_gather(0, k, 0)

        def pair_body(g2, carry):
            a = 2 * g2
            for k in range(NBUF):
                @pl.when(g2 > 0)
                def _():
                    drain(ssem[1][k], 1, k)
                fire_gather(a + 1, k, 1)
            for k in range(NBUF):
                drain(gsem[0][k], 0, k)
                fire_store(a, k, 0)
            for k in range(NBUF):
                drain(ssem[0][k], 0, k)
                if odd:
                    fire_gather(a + 2, k, 0)
                else:
                    @pl.when(g2 < n_pairs - 1)
                    def _():
                        fire_gather(a + 2, k, 0)
            for k in range(NBUF):
                drain(gsem[1][k], 1, k)
                fire_store(a + 1, k, 1)
            return carry

        lax.fori_loop(0, n_pairs, pair_body, 0)
        if odd:
            for k in range(NBUF):
                drain(gsem[0][k], 0, k)
                fire_store(n_groups - 1, k, 0)
            for k in range(NBUF):
                drain(ssem[0][k], 0, k)
        for k in range(NBUF):
            drain(ssem[1][k], 1, k)

    return gather_k


def kernel(t, emb_weight, W, b):
    B = t.shape[0]
    V = emb_weight.shape[0]
    D = W.shape[0]
    P = _project_table(emb_weight, W, b)

    info = plsc.get_sparse_core_info()
    NC, NS = info.num_cores, info.num_subcores
    NW = NC * NS
    assert B % NW == 0, (B, NW)
    b_per_w = B // NW

    C, NBUF = 0, 0
    for cand in range(40, 0, -8):
        if b_per_w % cand == 0:
            n_chunks = b_per_w // cand
            for nb in (5, 4, 6, 3, 2):
                if n_chunks % nb == 0:
                    C, NBUF = cand, nb
                    break
            if C:
                break
    assert C > 0, b_per_w

    return _make_gather(B, V, D, NC, NS, b_per_w, C, NBUF)(P, t)

# --- scband reference (transcript-rebuilt; emitter-appended) ---
"""Pipeline reference for scband-rel-temporal-encoding-67834713473482 (READ-ONLY COPY).

The authoritative reference and input builder live on the scoring server;
editing this copy changes nothing except your own understanding.
"""

import jax, jax.numpy as jnp
import numpy as np
import math

N_HID = 128
MAX_LEN = 40
N_T = 320000

def _build_sinusoid_table():
    position = np.arange(0.0, MAX_LEN)[:, None]
    div_term = np.exp(np.arange(0, N_HID, 2) * -(math.log(10000.0) / N_HID))
    emb = np.zeros((MAX_LEN, N_HID), dtype=np.float32)
    emb[:, 0::2] = np.sin(position * div_term) / math.sqrt(N_HID)
    emb[:, 1::2] = np.cos(position * div_term) / math.sqrt(N_HID)
    return jnp.asarray(emb)

def setup_inputs(seed: int = 0) -> dict:
    key = jax.random.key(seed)
    k1, k2, k3 = jax.random.split(key, 3)
    t = jax.random.randint(k1, (N_T,), 0, MAX_LEN, dtype=jnp.int32)
    emb_weight = _build_sinusoid_table()
    # nn.Linear(n_hid, n_hid): W [out, in], b [out]
    bound = 1.0 / math.sqrt(N_HID)
    W = jax.random.uniform(k2, (N_HID, N_HID), minval=-bound, maxval=bound, dtype=jnp.float32)
    b = jax.random.uniform(k3, (N_HID,), minval=-bound, maxval=bound, dtype=jnp.float32)
    return {"t": t, "emb_weight": emb_weight, "W": W, "b": b}

def reference(t, emb_weight, W, b):
    # emb(t): gather rows of sinusoid table; then linear
    e = jnp.take(emb_weight, t, axis=0)  # [N_T, n_hid]
    out = e @ W.T + b                    # [N_T, n_hid]
    return out

if __name__ == "__main__":
    import jax
    _d = setup_inputs()
    print(jax.jit(kernel)(*tuple(_d.values())))

</pallas_src>

<mosaic_0001>
#map = affine_map<(d0, d1) -> (0, 0)>
#map1 = affine_map<(d0, d1) -> (0)>
module attributes {stable_mosaic.version = 14 : i64} {
  func.func @gather_k(%arg0: i32, %arg1: i32, %arg2: memref<40x128xf32, #tpu.memory_space<hbm>>, %arg3: memref<320000xi32, #tpu.memory_space<hbm>>, %arg4: memref<320000x128xf32, #tpu.memory_space<hbm>>, %arg5: memref<40x128xf32, #tpu.memory_space<vmem_shared>>, %arg6: memref<10000xi32, #tpu.memory_space<vmem>>, %arg7: memref<2x5x40x128xf32, #tpu.memory_space<vmem>>, %arg8: memref<!tpu.dma_semaphore, #tpu.memory_space<semaphore_mem>>, %arg9: memref<!tpu.dma_semaphore, #tpu.memory_space<semaphore_mem>>, %arg10: memref<!tpu.dma_semaphore, #tpu.memory_space<semaphore_mem>>, %arg11: memref<!tpu.dma_semaphore, #tpu.memory_space<semaphore_mem>>, %arg12: memref<!tpu.dma_semaphore, #tpu.memory_space<semaphore_mem>>, %arg13: memref<!tpu.dma_semaphore, #tpu.memory_space<semaphore_mem>>, %arg14: memref<!tpu.dma_semaphore, #tpu.memory_space<semaphore_mem>>, %arg15: memref<!tpu.dma_semaphore, #tpu.memory_space<semaphore_mem>>, %arg16: memref<!tpu.dma_semaphore, #tpu.memory_space<semaphore_mem>>, %arg17: memref<!tpu.dma_semaphore, #tpu.memory_space<semaphore_mem>>, %arg18: memref<!tpu.dma_semaphore, #tpu.memory_space<semaphore_mem>>, %arg19: memref<!tpu.dma_semaphore, #tpu.memory_space<semaphore_mem>>, %arg20: memref<!tpu.dma_semaphore, #tpu.memory_space<semaphore_mem>>, %arg21: memref<!tpu.dma_semaphore, #tpu.memory_space<semaphore_mem>>, %arg22: memref<!tpu.dma_semaphore, #tpu.memory_space<semaphore_mem>>, %arg23: memref<!tpu.dma_semaphore, #tpu.memory_space<semaphore_mem>>, %arg24: memref<!tpu.dma_semaphore, #tpu.memory_space<semaphore_mem>>, %arg25: memref<!tpu.dma_semaphore, #tpu.memory_space<semaphore_mem>>, %arg26: memref<!tpu.dma_semaphore, #tpu.memory_space<semaphore_mem>>, %arg27: memref<!tpu.dma_semaphore, #tpu.memory_space<semaphore_mem>>) attributes {dimension_semantics = [#tpu.dimension_semantics<core_parallel>, #tpu.dimension_semantics<subcore_parallel>], iteration_bounds = array<i64: 2, 16>, scalar_prefetch = 0 : i64, scratch_operands = 23 : i64, tpu.core_type = #tpu.core_type<sc_vector_subcore>, window_params = [{transform_indices = #map}, {transform_indices = #map1}, {transform_indices = #map}]} {
    %mul3A = arith.constant 2 : i32
    %mul3A_0 = arith.muli %arg1, %mul3A : i32
    %add3A = arith.addi %mul3A_0, %arg0 : i32
    %mul3A_1 = arith.constant 10000 : i32
    %mul3A_2 = arith.muli %add3A, %mul3A_1 : i32
    %eq3A = arith.constant 0 : i32
    %eq3A_3 = arith.cmpi eq, %arg1, %eq3A : i32
    %convert_element_type3A = arith.extui %eq3A_3 : i1 to i32
    %cond3A = arith.constant 0 : i32
    %cond3A_4 = arith.cmpi ne, %convert_element_type3A, %cond3A : i32
    scf.if %cond3A_4 {
      "tpu.region"() ({
        %run_scoped3A = tpu.sem_alloc : memref<!tpu.dma_semaphore, #tpu.memory_space<semaphore_mem>>
        tpu.enqueue_dma source(%arg2 : memref<40x128xf32, #tpu.memory_space<hbm>>) target(%arg5 : memref<40x128xf32, #tpu.memory_space<vmem_shared>>) target_semaphore(%run_scoped3A : memref<!tpu.dma_semaphore, #tpu.memory_space<semaphore_mem>>)
        tpu.wait_dma2 semaphore(%run_scoped3A : memref<!tpu.dma_semaphore, #tpu.memory_space<semaphore_mem>>) src(%arg2 : memref<40x128xf32, #tpu.memory_space<hbm>>) dst(%arg5 : memref<40x128xf32, #tpu.memory_space<vmem_shared>>)
        tpu.yield
      }) : () -> ()
    } else {
    }
    "tpu.region"() ({
      %run_scoped3A = tpu.sem_alloc : memref<!tpu.dma_semaphore, #tpu.memory_space<semaphore_mem>>
      %dma_start3A_143 = tpu.memref_slice %arg3[%mul3A_2] : memref<320000xi32, #tpu.memory_space<hbm>> -> memref<10000xi32, #tpu.memory_space<hbm>>
      %dma_start3A_144 = tpu.memref_slice %arg3[%mul3A_2] : memref<320000xi32, #tpu.memory_space<hbm>> -> memref<10000xi32, #tpu.memory_space<hbm>>
      tpu.enqueue_dma source(%dma_start3A_144 : memref<10000xi32, #tpu.memory_space<hbm>>) target(%arg6 : memref<10000xi32, #tpu.memory_space<vmem>>) target_semaphore(%run_scoped3A : memref<!tpu.dma_semaphore, #tpu.memory_space<semaphore_mem>>)
      %dma_wait3A_145 = tpu.memref_slice %arg3[%mul3A_2] : memref<320000xi32, #tpu.memory_space<hbm>> -> memref<10000xi32, #tpu.memory_space<hbm>>
      %dma_wait3A_146 = tpu.memref_slice %arg3[%mul3A_2] : memref<320000xi32, #tpu.memory_space<hbm>> -> memref<10000xi32, #tpu.memory_space<hbm>>
      tpu.wait_dma2 semaphore(%run_scoped3A : memref<!tpu.dma_semaphore, #tpu.memory_space<semaphore_mem>>) src(%dma_wait3A_146 : memref<10000xi32, #tpu.memory_space<hbm>>) dst(%arg6 : memref<10000xi32, #tpu.memory_space<vmem>>)
      tpu.yield
    }) : () -> ()
    %barrier3A = arith.constant 0 : index
    tpu.barrier barrier_id(%barrier3A)
    %dma_start3A = arith.constant 0 : i32
    %dma_start3A_5 = arith.constant 0 : i32
    %dma_start3A_6 = arith.constant 0 : i32
    %dma_start3A_7 = arith.constant 0 : i32
    %dma_start3A_8 = tpu.memref_slice %arg7[%dma_start3A, %dma_start3A_5, %dma_start3A_6, %dma_start3A_7] : memref<2x5x40x128xf32, #tpu.memory_space<vmem>> -> memref<1x1x40x128xf32, #tpu.memory_space<vmem>>
    %dma_start3A_9 = tpu.memref_squeeze %dma_start3A_8 : memref<1x1x40x128xf32, #tpu.memory_space<vmem>> -> memref<40x128xf32, #tpu.memory_space<vmem>>
    %dma_start3A_10 = arith.constant 0 : i32
    %dma_start3A_11 = tpu.memref_slice %arg6[%dma_start3A_10] : memref<10000xi32, #tpu.memory_space<vmem>> -> memref<40xi32, #tpu.memory_space<vmem>>
    %dma_start3A_12 = arith.constant 0 : i32
    %dma_start3A_13 = arith.constant 0 : i32
    %dma_start3A_14 = tpu.memref_slice %arg5[%dma_start3A_12, %dma_start3A_13] : memref<40x128xf32, #tpu.memory_space<vmem_shared>> -> memref<40x128xf32, #tpu.memory_space<vmem_shared>>
    tpu.enqueue_indirect_dma source(%dma_start3A_14 : memref<40x128xf32, #tpu.memory_space<vmem_shared>>) target(%dma_start3A_9 : memref<40x128xf32, #tpu.memory_space<vmem>>) offsets(%dma_start3A_11 : memref<40xi32, #tpu.memory_space<vmem>>) semaphore(%arg8 : memref<!tpu.dma_semaphore, #tpu.memory_space<semaphore_mem>>)
    %dma_start3A_15 = arith.constant 0 : i32
    %dma_start3A_16 = arith.constant 1 : i32
    %dma_start3A_17 = arith.constant 0 : i32
    %dma_start3A_18 = arith.constant 0 : i32
    %dma_start3A_19 = tpu.memref_slice %arg7[%dma_start3A_15, %dma_start3A_16, %dma_start3A_17, %dma_start3A_18] : memref<2x5x40x128xf32, #tpu.memory_space<vmem>> -> memref<1x1x40x128xf32, #tpu.memory_space<vmem>>
    %dma_start3A_20 = tpu.memref_squeeze %dma_start3A_19 : memref<1x1x40x128xf32, #tpu.memory_space<vmem>> -> memref<40x128xf32, #tpu.memory_space<vmem>>
    %dma_start3A_21 = arith.constant 40 : i32
    %dma_start3A_22 = tpu.memref_slice %arg6[%dma_start3A_21] : memref<10000xi32, #tpu.memory_space<vmem>> -> memref<40xi32, #tpu.memory_space<vmem>>
    %dma_start3A_23 = arith.constant 0 : i32
    %dma_start3A_24 = arith.constant 0 : i32
    %dma_start3A_25 = tpu.memref_slice %arg5[%dma_start3A_23, %dma_start3A_24] : memref<40x128xf32, #tpu.memory_space<vmem_shared>> -> memref<40x128xf32, #tpu.memory_space<vmem_shared>>
    tpu.enqueue_indirect_dma source(%dma_start3A_25 : memref<40x128xf32, #tpu.memory_space<vmem_shared>>) target(%dma_start3A_20 : memref<40x128xf32, #tpu.memory_space<vmem>>) offsets(%dma_start3A_22 : memref<40xi32, #tpu.memory_space<vmem>>) semaphore(%arg9 : memref<!tpu.dma_semaphore, #tpu.memory_space<semaphore_mem>>)
    %dma_start3A_26 = arith.constant 0 : i32
    %dma_start3A_27 = arith.constant 2 : i32
    %dma_start3A_28 = arith.constant 0 : i32
    %dma_start3A_29 = arith.constant 0 : i32
    %dma_start3A_30 = tpu.memref_slice %arg7[%dma_start3A_26, %dma_start3A_27, %dma_start3A_28, %dma_start3A_29] : memref<2x5x40x128xf32, #tpu.memory_space<vmem>> -> memref<1x1x40x128xf32, #tpu.memory_space<vmem>>
    %dma_start3A_31 = tpu.memref_squeeze %dma_start3A_30 : memref<1x1x40x128xf32, #tpu.memory_space<vmem>> -> memref<40x128xf32, #tpu.memory_space<vmem>>
    %dma_start3A_32 = arith.constant 80 : i32
    %dma_start3A_33 = tpu.memref_slice %arg6[%dma_start3A_32] : memref<10000xi32, #tpu.memory_space<vmem>> -> memref<40xi32, #tpu.memory_space<vmem>>
    %dma_start3A_34 = arith.constant 0 : i32
    %dma_start3A_35 = arith.constant 0 : i32
    %dma_start3A_36 = tpu.memref_slice %arg5[%dma_start3A_34, %dma_start3A_35] : memref<40x128xf32, #tpu.memory_space<vmem_shared>> -> memref<40x128xf32, #tpu.memory_space<vmem_shared>>
    tpu.enqueue_indirect_dma source(%dma_start3A_36 : memref<40x128xf32, #tpu.memory_space<vmem_shared>>) target(%dma_start3A_31 : memref<40x128xf32, #tpu.memory_space<vmem>>) offsets(%dma_start3A_33 : memref<40xi32, #tpu.memory_space<vmem>>) semaphore(%arg10 : memref<!tpu.dma_semaphore, #tpu.memory_space<semaphore_mem>>)
    %dma_start3A_37 = arith.constant 0 : i32
    %dma_start3A_38 = arith.constant 3 : i32
    %dma_start3A_39 = arith.constant 0 : i32
    %dma_start3A_40 = arith.constant 0 : i32
    %dma_start3A_41 = tpu.memref_slice %arg7[%dma_start3A_37, %dma_start3A_38, %dma_start3A_39, %dma_start3A_40] : memref<2x5x40x128xf32, #tpu.memory_space<vmem>> -> memref<1x1x40x128xf32, #tpu.memory_space<vmem>>
    %dma_start3A_42 = tpu.memref_squeeze %dma_start3A_41 : memref<1x1x40x128xf32, #tpu.memory_space<vmem>> -> memref<40x128xf32, #tpu.memory_space<vmem>>
    %dma_start3A_43 = arith.constant 120 : i32
    %dma_start3A_44 = tpu.memref_slice %arg6[%dma_start3A_43] : memref<10000xi32, #tpu.memory_space<vmem>> -> memref<40xi32, #tpu.memory_space<vmem>>
    %dma_start3A_45 = arith.constant 0 : i32
    %dma_start3A_46 = arith.constant 0 : i32
    %dma_start3A_47 = tpu.memref_slice %arg5[%dma_start3A_45, %dma_start3A_46] : memref<40x128xf32, #tpu.memory_space<vmem_shared>> -> memref<40x128xf32, #tpu.memory_space<vmem_shared>>
    tpu.enqueue_indirect_dma source(%dma_start3A_47 : memref<40x128xf32, #tpu.memory_space<vmem_shared>>) target(%dma_start3A_42 : memref<40x128xf32, #tpu.memory_space<vmem>>) offsets(%dma_start3A_44 : memref<40xi32, #tpu.memory_space<vmem>>) semaphore(%arg11 : memref<!tpu.dma_semaphore, #tpu.memory_space<semaphore_mem>>)
    %dma_start3A_48 = arith.constant 0 : i32
    %dma_start3A_49 = arith.constant 4 : i32
    %dma_start3A_50 = arith.constant 0 : i32
    %dma_start3A_51 = arith.constant 0 : i32
    %dma_start3A_52 = tpu.memref_slice %arg7[%dma_start3A_48, %dma_start3A_49, %dma_start3A_50, %dma_start3A_51] : memref<2x5x40x128xf32, #tpu.memory_space<vmem>> -> memref<1x1x40x128xf32, #tpu.memory_space<vmem>>
    %dma_start3A_53 = tpu.memref_squeeze %dma_start3A_52 : memref<1x1x40x128xf32, #tpu.memory_space<vmem>> -> memref<40x128xf32, #tpu.memory_space<vmem>>
    %dma_start3A_54 = arith.constant 160 : i32
    %dma_start3A_55 = tpu.memref_slice %arg6[%dma_start3A_54] : memref<10000xi32, #tpu.memory_space<vmem>> -> memref<40xi32, #tpu.memory_space<vmem>>
    %dma_start3A_56 = arith.constant 0 : i32
    %dma_start3A_57 = arith.constant 0 : i32
    %dma_start3A_58 = tpu.memref_slice %arg5[%dma_start3A_56, %dma_start3A_57] : memref<40x128xf32, #tpu.memory_space<vmem_shared>> -> memref<40x128xf32, #tpu.memory_space<vmem_shared>>
    tpu.enqueue_indirect_dma source(%dma_start3A_58 : memref<40x128xf32, #tpu.memory_space<vmem_shared>>) target(%dma_start3A_53 : memref<40x128xf32, #tpu.memory_space<vmem>>) offsets(%dma_start3A_55 : memref<40xi32, #tpu.memory_space<vmem>>) semaphore(%arg12 : memref<!tpu.dma_semaphore, #tpu.memory_space<semaphore_mem>>)
    %scan3A = arith.constant 0 : i32
    %scan3A_59 = arith.constant 0 : i32
    %scan3A_60 = arith.constant 25 : i32
    %scan3A_61 = arith.addi %scan3A_59, %scan3A_60 : i32
    %scan3A_62 = arith.constant 1 : i32
    scf.for %scan3A_143 = %scan3A_59 to %scan3A_61 step %scan3A_62  : i32 {
      %mul3A_144 = arith.constant 2 : i32
      %mul3A_145 = arith.muli %mul3A_144, %scan3A_143 : i32
      %gt3A = arith.constant 0 : i32
      %gt3A_146 = arith.cmpi sgt, %scan3A_143, %gt3A : i32
      %convert_element_type3A_147 = arith.extui %gt3A_146 : i1 to i32
      %cond3A_148 = arith.constant 0 : i32
      %cond3A_149 = arith.cmpi ne, %convert_element_type3A_147, %cond3A_148 : i32
      scf.if %cond3A_149 {
        %dma_wait3A_744 = arith.constant 1 : i32
        %dma_wait3A_745 = arith.constant 0 : i32
        %dma_wait3A_746 = arith.constant 0 : i32
        %dma_wait3A_747 = arith.constant 0 : i32
        %dma_wait3A_748 = tpu.memref_slice %arg7[%dma_wait3A_744, %dma_wait3A_745, %dma_wait3A_746, %dma_wait3A_747] : memref<2x5x40x128xf32, #tpu.memory_space<vmem>> -> memref<1x1x40x128xf32, #tpu.memory_space<vmem>>
        %dma_wait3A_749 = tpu.memref_squeeze %dma_wait3A_748 : memref<1x1x40x128xf32, #tpu.memory_space<vmem>> -> memref<40x128xf32, #tpu.memory_space<vmem>>
        %dma_wait3A_750 = arith.constant 0 : i32
        %dma_wait3A_751 = arith.constant 0 : i32
        %dma_wait3A_752 = tpu.memref_slice %arg4[%dma_wait3A_750, %dma_wait3A_751] : memref<320000x128xf32, #tpu.memory_space<hbm>> -> memref<40x128xf32, #tpu.memory_space<hbm>>
        %dma_wait3A_753 = arith.constant 0 : i32
        %dma_wait3A_754 = arith.constant 0 : i32
        %dma_wait3A_755 = tpu.memref_slice %arg7[%dma_wait3A_744, %dma_wait3A_745, %dma_wait3A_753, %dma_wait3A_754] : memref<2x5x40x128xf32, #tpu.memory_space<vmem>> -> memref<1x1x40x128xf32, #tpu.memory_space<vmem>>
        %dma_wait3A_756 = tpu.memref_squeeze %dma_wait3A_755 : memref<1x1x40x128xf32, #tpu.memory_space<vmem>> -> memref<40x128xf32, #tpu.memory_space<vmem>>
        %dma_wait3A_757 = arith.constant 0 : i32
        %dma_wait3A_758 = arith.constant 0 : i32
        %dma_wait3A_759 = tpu.memref_slice %arg4[%dma_wait3A_757, %dma_wait3A_758] : memref<320000x128xf32, #tpu.memory_space<hbm>> -> memref<40x128xf32, #tpu.memory_space<hbm>>
        tpu.wait_dma2 semaphore(%arg23 : memref<!tpu.dma_semaphore, #tpu.memory_space<semaphore_mem>>) src(%dma_wait3A_759 : memref<40x128xf32, #tpu.memory_space<hbm>>) dst(%dma_wait3A_756 : memref<40x128xf32, #tpu.memory_space<vmem>>)
      } else {
      }
      %add3A_150 = arith.constant 1 : i32
      %add3A_151 = arith.addi %mul3A_145, %add3A_150 : i32
      %mul3A_152 = arith.constant 5 : i32
      %mul3A_153 = arith.muli %add3A_151, %mul3A_152 : i32
      %add3A_154 = arith.constant 0 : i32
      %add3A_155 = arith.addi %mul3A_153, %add3A_154 : i32
      %mul3A_156 = arith.constant 40 : i32
      %mul3A_157 = arith.muli %add3A_155, %mul3A_156 : i32
      %dma_start3A_158 = arith.constant 1 : i32
      %dma_start3A_159 = arith.constant 0 : i32
      %dma_start3A_160 = arith.constant 0 : i32
      %dma_start3A_161 = arith.constant 0 : i32
      %dma_start3A_162 = tpu.memref_slice %arg7[%dma_start3A_158, %dma_start3A_159, %dma_start3A_160, %dma_start3A_161] : memref<2x5x40x128xf32, #tpu.memory_space<vmem>> -> memref<1x1x40x128xf32, #tpu.memory_space<vmem>>
      %dma_start3A_163 = tpu.memref_squeeze %dma_start3A_162 : memref<1x1x40x128xf32, #tpu.memory_space<vmem>> -> memref<40x128xf32, #tpu.memory_space<vmem>>
      %dma_start3A_164 = tpu.memref_slice %arg6[%mul3A_157] : memref<10000xi32, #tpu.memory_space<vmem>> -> memref<40xi32, #tpu.memory_space<vmem>>
      %dma_start3A_165 = arith.constant 0 : i32
      %dma_start3A_166 = arith.constant 0 : i32
      %dma_start3A_167 = tpu.memref_slice %arg5[%dma_start3A_165, %dma_start3A_166] : memref<40x128xf32, #tpu.memory_space<vmem_shared>> -> memref<40x128xf32, #tpu.memory_space<vmem_shared>>
      tpu.enqueue_indirect_dma source(%dma_start3A_167 : memref<40x128xf32, #tpu.memory_space<vmem_shared>>) target(%dma_start3A_163 : memref<40x128xf32, #tpu.memory_space<vmem>>) offsets(%dma_start3A_164 : memref<40xi32, #tpu.memory_space<vmem>>) semaphore(%arg13 : memref<!tpu.dma_semaphore, #tpu.memory_space<semaphore_mem>>)
      %gt3A_168 = arith.constant 0 : i32
      %gt3A_169 = arith.cmpi sgt, %scan3A_143, %gt3A_168 : i32
      %convert_element_type3A_170 = arith.extui %gt3A_169 : i1 to i32
      %cond3A_171 = arith.constant 0 : i32
      %cond3A_172 = arith.cmpi ne, %convert_element_type3A_170, %cond3A_171 : i32
      scf.if %cond3A_172 {
        %dma_wait3A_744 = arith.constant 1 : i32
        %dma_wait3A_745 = arith.constant 1 : i32
        %dma_wait3A_746 = arith.constant 0 : i32
        %dma_wait3A_747 = arith.constant 0 : i32
        %dma_wait3A_748 = tpu.memref_slice %arg7[%dma_wait3A_744, %dma_wait3A_745, %dma_wait3A_746, %dma_wait3A_747] : memref<2x5x40x128xf32, #tpu.memory_space<vmem>> -> memref<1x1x40x128xf32, #tpu.memory_space<vmem>>
        %dma_wait3A_749 = tpu.memref_squeeze %dma_wait3A_748 : memref<1x1x40x128xf32, #tpu.memory_space<vmem>> -> memref<40x128xf32, #tpu.memory_space<vmem>>
        %dma_wait3A_750 = arith.constant 0 : i32
        %dma_wait3A_751 = arith.constant 0 : i32
        %dma_wait3A_752 = tpu.memref_slice %arg4[%dma_wait3A_750, %dma_wait3A_751] : memref<320000x128xf32, #tpu.memory_space<hbm>> -> memref<40x128xf32, #tpu.memory_space<hbm>>
        %dma_wait3A_753 = arith.constant 0 : i32
        %dma_wait3A_754 = arith.constant 0 : i32
        %dma_wait3A_755 = tpu.memref_slice %arg7[%dma_wait3A_744, %dma_wait3A_745, %dma_wait3A_753, %dma_wait3A_754] : memref<2x5x40x128xf32, #tpu.memory_space<vmem>> -> memref<1x1x40x128xf32, #tpu.memory_space<vmem>>
        %dma_wait3A_756 = tpu.memref_squeeze %dma_wait3A_755 : memref<1x1x40x128xf32, #tpu.memory_space<vmem>> -> memref<40x128xf32, #tpu.memory_space<vmem>>
        %dma_wait3A_757 = arith.constant 0 : i32
        %dma_wait3A_758 = arith.constant 0 : i32
        %dma_wait3A_759 = tpu.memref_slice %arg4[%dma_wait3A_757, %dma_wait3A_758] : memref<320000x128xf32, #tpu.memory_space<hbm>> -> memref<40x128xf32, #tpu.memory_space<hbm>>
        tpu.wait_dma2 semaphore(%arg24 : memref<!tpu.dma_semaphore, #tpu.memory_space<semaphore_mem>>) src(%dma_wait3A_759 : memref<40x128xf32, #tpu.memory_space<hbm>>) dst(%dma_wait3A_756 : memref<40x128xf32, #tpu.memory_space<vmem>>)
      } else {
      }
      %add3A_173 = arith.constant 1 : i32
      %add3A_174 = arith.addi %mul3A_145, %add3A_173 : i32
      %mul3A_175 = arith.constant 5 : i32
      %mul3A_176 = arith.muli %add3A_174, %mul3A_175 : i32
      %add3A_177 = arith.constant 1 : i32
      %add3A_178 = arith.addi %mul3A_176, %add3A_177 : i32
      %mul3A_179 = arith.constant 40 : i32
      %mul3A_180 = arith.muli %add3A_178, %mul3A_179 : i32
      %dma_start3A_181 = arith.constant 1 : i32
      %dma_start3A_182 = arith.constant 1 : i32
      %dma_start3A_183 = arith.constant 0 : i32
      %dma_start3A_184 = arith.constant 0 : i32
      %dma_start3A_185 = tpu.memref_slice %arg7[%dma_start3A_181, %dma_start3A_182, %dma_start3A_183, %dma_start3A_184] : memref<2x5x40x128xf32, #tpu.memory_space<vmem>> -> memref<1x1x40x128xf32, #tpu.memory_space<vmem>>
      %dma_start3A_186 = tpu.memref_squeeze %dma_start3A_185 : memref<1x1x40x128xf32, #tpu.memory_space<vmem>> -> memref<40x128xf32, #tpu.memory_space<vmem>>
      %dma_start3A_187 = tpu.memref_slice %arg6[%mul3A_180] : memref<10000xi32, #tpu.memory_space<vmem>> -> memref<40xi32, #tpu.memory_space<vmem>>
      %dma_start3A_188 = arith.constant 0 : i32
      %dma_start3A_189 = arith.constant 0 : i32
      %dma_start3A_190 = tpu.memref_slice %arg5[%dma_start3A_188, %dma_start3A_189] : memref<40x128xf32, #tpu.memory_space<vmem_shared>> -> memref<40x128xf32, #tpu.memory_space<vmem_shared>>
      tpu.enqueue_indirect_dma source(%dma_start3A_190 : memref<40x128xf32, #tpu.memory_space<vmem_shared>>) target(%dma_start3A_186 : memref<40x128xf32, #tpu.memory_space<vmem>>) offsets(%dma_start3A_187 : memref<40xi32, #tpu.memory_space<vmem>>) semaphore(%arg14 : memref<!tpu.dma_semaphore, #tpu.memory_space<semaphore_mem>>)
      %gt3A_191 = arith.constant 0 : i32
      %gt3A_192 = arith.cmpi sgt, %scan3A_143, %gt3A_191 : i32
      %convert_element_type3A_193 = arith.extui %gt3A_192 : i1 to i32
      %cond3A_194 = arith.constant 0 : i32
      %cond3A_195 = arith.cmpi ne, %convert_element_type3A_193, %cond3A_194 : i32
      scf.if %cond3A_195 {
        %dma_wait3A_744 = arith.constant 1 : i32
        %dma_wait3A_745 = arith.constant 2 : i32
        %dma_wait3A_746 = arith.constant 0 : i32
        %dma_wait3A_747 = arith.constant 0 : i32
        %dma_wait3A_748 = tpu.memref_slice %arg7[%dma_wait3A_744, %dma_wait3A_745, %dma_wait3A_746, %dma_wait3A_747] : memref<2x5x40x128xf32, #tpu.memory_space<vmem>> -> memref<1x1x40x128xf32, #tpu.memory_space<vmem>>
        %dma_wait3A_749 = tpu.memref_squeeze %dma_wait3A_748 : memref<1x1x40x128xf32, #tpu.memory_space<vmem>> -> memref<40x128xf32, #tpu.memory_space<vmem>>
        %dma_wait3A_750 = arith.constant 0 : i32
        %dma_wait3A_751 = arith.constant 0 : i32
        %dma_wait3A_752 = tpu.memref_slice %arg4[%dma_wait3A_750, %dma_wait3A_751] : memref<320000x128xf32, #tpu.memory_space<hbm>> -> memref<40x128xf32, #tpu.memory_space<hbm>>
        %dma_wait3A_753 = arith.constant 0 : i32
        %dma_wait3A_754 = arith.constant 0 : i32
        %dma_wait3A_755 = tpu.memref_slice %arg7[%dma_wait3A_744, %dma_wait3A_745, %dma_wait3A_753, %dma_wait3A_754] : memref<2x5x40x128xf32, #tpu.memory_space<vmem>> -> memref<1x1x40x128xf32, #tpu.memory_space<vmem>>
        %dma_wait3A_756 = tpu.memref_squeeze %dma_wait3A_755 : memref<1x1x40x128xf32, #tpu.memory_space<vmem>> -> memref<40x128xf32, #tpu.memory_space<vmem>>
        %dma_wait3A_757 = arith.constant 0 : i32
        %dma_wait3A_758 = arith.constant 0 : i32
        %dma_wait3A_759 = tpu.memref_slice %arg4[%dma_wait3A_757, %dma_wait3A_758] : memref<320000x128xf32, #tpu.memory_space<hbm>> -> memref<40x128xf32, #tpu.memory_space<hbm>>
        tpu.wait_dma2 semaphore(%arg25 : memref<!tpu.dma_semaphore, #tpu.memory_space<semaphore_mem>>) src(%dma_wait3A_759 : memref<40x128xf32, #tpu.memory_space<hbm>>) dst(%dma_wait3A_756 : memref<40x128xf32, #tpu.memory_space<vmem>>)
      } else {
      }
      %add3A_196 = arith.constant 1 : i32
      %add3A_197 = arith.addi %mul3A_145, %add3A_196 : i32
      %mul3A_198 = arith.constant 5 : i32
      %mul3A_199 = arith.muli %add3A_197, %mul3A_198 : i32
      %add3A_200 = arith.constant 2 : i32
      %add3A_201 = arith.addi %mul3A_199, %add3A_200 : i32
      %mul3A_202 = arith.constant 40 : i32
      %mul3A_203 = arith.muli %add3A_201, %mul3A_202 : i32
      %dma_start3A_204 = arith.constant 1 : i32
      %dma_start3A_205 = arith.constant 2 : i32
      %dma_start3A_206 = arith.constant 0 : i32
      %dma_start3A_207 = arith.constant 0 : i32
      %dma_start3A_208 = tpu.memref_slice %arg7[%dma_start3A_204, %dma_start3A_205, %dma_start3A_206, %dma_start3A_207] : memref<2x5x40x128xf32, #tpu.memory_space<vmem>> -> memref<1x1x40x128xf32, #tpu.memory_space<vmem>>
      %dma_start3A_209 = tpu.memref_squeeze %dma_start3A_208 : memref<1x1x40x128xf32, #tpu.memory_space<vmem>> -> memref<40x128xf32, #tpu.memory_space<vmem>>
      %dma_start3A_210 = tpu.memref_slice %arg6[%mul3A_203] : memref<10000xi32, #tpu.memory_space<vmem>> -> memref<40xi32, #tpu.memory_space<vmem>>
      %dma_start3A_211 = arith.constant 0 : i32
      %dma_start3A_212 = arith.constant 0 : i32
      %dma_start3A_213 = tpu.memref_slice %arg5[%dma_start3A_211, %dma_start3A_212] : memref<40x128xf32, #tpu.memory_space<vmem_shared>> -> memref<40x128xf32, #tpu.memory_space<vmem_shared>>
      tpu.enqueue_indirect_dma source(%dma_start3A_213 : memref<40x128xf32, #tpu.memory_space<vmem_shared>>) target(%dma_start3A_209 : memref<40x128xf32, #tpu.memory_space<vmem>>) offsets(%dma_start3A_210 : memref<40xi32, #tpu.memory_space<vmem>>) semaphore(%arg15 : memref<!tpu.dma_semaphore, #tpu.memory_space<semaphore_mem>>)
      %gt3A_214 = arith.constant 0 : i32
      %gt3A_215 = arith.cmpi sgt, %scan3A_143, %gt3A_214 : i32
      %convert_element_type3A_216 = arith.extui %gt3A_215 : i1 to i32
      %cond3A_217 = arith.constant 0 : i32
      %cond3A_218 = arith.cmpi ne, %convert_element_type3A_216, %cond3A_217 : i32
      scf.if %cond3A_218 {
        %dma_wait3A_744 = arith.constant 1 : i32
        %dma_wait3A_745 = arith.constant 3 : i32
        %dma_wait3A_746 = arith.constant 0 : i32
        %dma_wait3A_747 = arith.constant 0 : i32
        %dma_wait3A_748 = tpu.memref_slice %arg7[%dma_wait3A_744, %dma_wait3A_745, %dma_wait3A_746, %dma_wait3A_747] : memref<2x5x40x128xf32, #tpu.memory_space<vmem>> -> memref<1x1x40x128xf32, #tpu.memory_space<vmem>>
        %dma_wait3A_749 = tpu.memref_squeeze %dma_wait3A_748 : memref<1x1x40x128xf32, #tpu.memory_space<vmem>> -> memref<40x128xf32, #tpu.memory_space<vmem>>
        %dma_wait3A_750 = arith.constant 0 : i32
        %dma_wait3A_751 = arith.constant 0 : i32
        %dma_wait3A_752 = tpu.memref_slice %arg4[%dma_wait3A_750, %dma_wait3A_751] : memref<320000x128xf32, #tpu.memory_space<hbm>> -> memref<40x128xf32, #tpu.memory_space<hbm>>
        %dma_wait3A_753 = arith.constant 0 : i32
        %dma_wait3A_754 = arith.constant 0 : i32
        %dma_wait3A_755 = tpu.memref_slice %arg7[%dma_wait3A_744, %dma_wait3A_745, %dma_wait3A_753, %dma_wait3A_754] : memref<2x5x40x128xf32, #tpu.memory_space<vmem>> -> memref<1x1x40x128xf32, #tpu.memory_space<vmem>>
        %dma_wait3A_756 = tpu.memref_squeeze %dma_wait3A_755 : memref<1x1x40x128xf32, #tpu.memory_space<vmem>> -> memref<40x128xf32, #tpu.memory_space<vmem>>
        %dma_wait3A_757 = arith.constant 0 : i32
        %dma_wait3A_758 = arith.constant 0 : i32
        %dma_wait3A_759 = tpu.memref_slice %arg4[%dma_wait3A_757, %dma_wait3A_758] : memref<320000x128xf32, #tpu.memory_space<hbm>> -> memref<40x128xf32, #tpu.memory_space<hbm>>
        tpu.wait_dma2 semaphore(%arg26 : memref<!tpu.dma_semaphore, #tpu.memory_space<semaphore_mem>>) src(%dma_wait3A_759 : memref<40x128xf32, #tpu.memory_space<hbm>>) dst(%dma_wait3A_756 : memref<40x128xf32, #tpu.memory_space<vmem>>)
      } else {
      }
      %add3A_219 = arith.constant 1 : i32
      %add3A_220 = arith.addi %mul3A_145, %add3A_219 : i32
      %mul3A_221 = arith.constant 5 : i32
      %mul3A_222 = arith.muli %add3A_220, %mul3A_221 : i32
      %add3A_223 = arith.constant 3 : i32
      %add3A_224 = arith.addi %mul3A_222, %add3A_223 : i32
      %mul3A_225 = arith.constant 40 : i32
      %mul3A_226 = arith.muli %add3A_224, %mul3A_225 : i32
      %dma_start3A_227 = arith.constant 1 : i32
      %dma_start3A_228 = arith.constant 3 : i32
      %dma_start3A_229 = arith.constant 0 : i32
      %dma_start3A_230 = arith.constant 0 : i32
      %dma_start3A_231 = tpu.memref_slice %arg7[%dma_start3A_227, %dma_start3A_228, %dma_start3A_229, %dma_start3A_230] : memref<2x5x40x128xf32, #tpu.memory_space<vmem>> -> memref<1x1x40x128xf32, #tpu.memory_space<vmem>>
      %dma_start3A_232 = tpu.memref_squeeze %dma_start3A_231 : memref<1x1x40x128xf32, #tpu.memory_space<vmem>> -> memref<40x128xf32, #tpu.memory_space<vmem>>
      %dma_start3A_233 = tpu.memref_slice %arg6[%mul3A_226] : memref<10000xi32, #tpu.memory_space<vmem>> -> memref<40xi32, #tpu.memory_space<vmem>>
      %dma_start3A_234 = arith.constant 0 : i32
      %dma_start3A_235 = arith.constant 0 : i32
      %dma_start3A_236 = tpu.memref_slice %arg5[%dma_start3A_234, %dma_start3A_235] : memref<40x128xf32, #tpu.memory_space<vmem_shared>> -> memref<40x128xf32, #tpu.memory_space<vmem_shared>>
      tpu.enqueue_indirect_dma source(%dma_start3A_236 : memref<40x128xf32, #tpu.memory_space<vmem_shared>>) target(%dma_start3A_232 : memref<40x128xf32, #tpu.memory_space<vmem>>) offsets(%dma_start3A_233 : memref<40xi32, #tpu.memory_space<vmem>>) semaphore(%arg16 : memref<!tpu.dma_semaphore, #tpu.memory_space<semaphore_mem>>)
      %gt3A_237 = arith.constant 0 : i32
      %gt3A_238 = arith.cmpi sgt, %scan3A_143, %gt3A_237 : i32
      %convert_element_type3A_239 = arith.extui %gt3A_238 : i1 to i32
      %cond3A_240 = arith.constant 0 : i32
      %cond3A_241 = arith.cmpi ne, %convert_element_type3A_239, %cond3A_240 : i32
      scf.if %cond3A_241 {
        %dma_wait3A_744 = arith.constant 1 : i32
        %dma_wait3A_745 = arith.constant 4 : i32
        %dma_wait3A_746 = arith.constant 0 : i32
        %dma_wait3A_747 = arith.constant 0 : i32
        %dma_wait3A_748 = tpu.memref_slice %arg7[%dma_wait3A_744, %dma_wait3A_745, %dma_wait3A_746, %dma_wait3A_747] : memref<2x5x40x128xf32, #tpu.memory_space<vmem>> -> memref<1x1x40x128xf32, #tpu.memory_space<vmem>>
        %dma_wait3A_749 = tpu.memref_squeeze %dma_wait3A_748 : memref<1x1x40x128xf32, #tpu.memory_space<vmem>> -> memref<40x128xf32, #tpu.memory_space<vmem>>
        %dma_wait3A_750 = arith.constant 0 : i32
        %dma_wait3A_751 = arith.constant 0 : i32
        %dma_wait3A_752 = tpu.memref_slice %arg4[%dma_wait3A_750, %dma_wait3A_751] : memref<320000x128xf32, #tpu.memory_space<hbm>> -> memref<40x128xf32, #tpu.memory_space<hbm>>
        %dma_wait3A_753 = arith.constant 0 : i32
        %dma_wait3A_754 = arith.constant 0 : i32
        %dma_wait3A_755 = tpu.memref_slice %arg7[%dma_wait3A_744, %dma_wait3A_745, %dma_wait3A_753, %dma_wait3A_754] : memref<2x5x40x128xf32, #tpu.memory_space<vmem>> -> memref<1x1x40x128xf32, #tpu.memory_space<vmem>>
        %dma_wait3A_756 = tpu.memref_squeeze %dma_wait3A_755 : memref<1x1x40x128xf32, #tpu.memory_space<vmem>> -> memref<40x128xf32, #tpu.memory_space<vmem>>
        %dma_wait3A_757 = arith.constant 0 : i32
        %dma_wait3A_758 = arith.constant 0 : i32
        %dma_wait3A_759 = tpu.memref_slice %arg4[%dma_wait3A_757, %dma_wait3A_758] : memref<320000x128xf32, #tpu.memory_space<hbm>> -> memref<40x128xf32, #tpu.memory_space<hbm>>
        tpu.wait_dma2 semaphore(%arg27 : memref<!tpu.dma_semaphore, #tpu.memory_space<semaphore_mem>>) src(%dma_wait3A_759 : memref<40x128xf32, #tpu.memory_space<hbm>>) dst(%dma_wait3A_756 : memref<40x128xf32, #tpu.memory_space<vmem>>)
      } else {
      }
      %add3A_242 = arith.constant 1 : i32
      %add3A_243 = arith.addi %mul3A_145, %add3A_242 : i32
      %mul3A_244 = arith.constant 5 : i32
      %mul3A_245 = arith.muli %add3A_243, %mul3A_244 : i32
      %add3A_246 = arith.constant 4 : i32
      %add3A_247 = arith.addi %mul3A_245, %add3A_246 : i32
      %mul3A_248 = arith.constant 40 : i32
      %mul3A_249 = arith.muli %add3A_247, %mul3A_248 : i32
      %dma_start3A_250 = arith.constant 1 : i32
      %dma_start3A_251 = arith.constant 4 : i32
      %dma_start3A_252 = arith.constant 0 : i32
      %dma_start3A_253 = arith.constant 0 : i32
      %dma_start3A_254 = tpu.memref_slice %arg7[%dma_start3A_250, %dma_start3A_251, %dma_start3A_252, %dma_start3A_253] : memref<2x5x40x128xf32, #tpu.memory_space<vmem>> -> memref<1x1x40x128xf32, #tpu.memory_space<vmem>>
      %dma_start3A_255 = tpu.memref_squeeze %dma_start3A_254 : memref<1x1x40x128xf32, #tpu.memory_space<vmem>> -> memref<40x128xf32, #tpu.memory_space<vmem>>
      %dma_start3A_256 = tpu.memref_slice %arg6[%mul3A_249] : memref<10000xi32, #tpu.memory_space<vmem>> -> memref<40xi32, #tpu.memory_space<vmem>>
      %dma_start3A_257 = arith.constant 0 : i32
      %dma_start3A_258 = arith.constant 0 : i32
      %dma_start3A_259 = tpu.memref_slice %arg5[%dma_start3A_257, %dma_start3A_258] : memref<40x128xf32, #tpu.memory_space<vmem_shared>> -> memref<40x128xf32, #tpu.memory_space<vmem_shared>>
      tpu.enqueue_indirect_dma source(%dma_start3A_259 : memref<40x128xf32, #tpu.memory_space<vmem_shared>>) target(%dma_start3A_255 : memref<40x128xf32, #tpu.memory_space<vmem>>) offsets(%dma_start3A_256 : memref<40xi32, #tpu.memory_space<vmem>>) semaphore(%arg17 : memref<!tpu.dma_semaphore, #tpu.memory_space<semaphore_mem>>)
      %dma_wait3A_260 = arith.constant 0 : i32
      %dma_wait3A_261 = arith.constant 0 : i32
      %dma_wait3A_262 = arith.constant 0 : i32
      %dma_wait3A_263 = arith.constant 0 : i32
      %dma_wait3A_264 = tpu.memref_slice %arg7[%dma_wait3A_260, %dma_wait3A_261, %dma_wait3A_262, %dma_wait3A_263] : memref<2x5x40x128xf32, #tpu.memory_space<vmem>> -> memref<1x1x40x128xf32, #tpu.memory_space<vmem>>
      %dma_wait3A_265 = tpu.memref_squeeze %dma_wait3A_264 : memref<1x1x40x128xf32, #tpu.memory_space<vmem>> -> memref<40x128xf32, #tpu.memory_space<vmem>>
      %dma_wait3A_266 = arith.constant 0 : i32
      %dma_wait3A_267 = arith.constant 0 : i32
      %dma_wait3A_268 = tpu.memref_slice %arg4[%dma_wait3A_266, %dma_wait3A_267] : memref<320000x128xf32, #tpu.memory_space<hbm>> -> memref<40x128xf32, #tpu.memory_space<hbm>>
      %dma_wait3A_269 = arith.constant 0 : i32
      %dma_wait3A_270 = arith.constant 0 : i32
      %dma_wait3A_271 = tpu.memref_slice %arg7[%dma_wait3A_260, %dma_wait3A_261, %dma_wait3A_269, %dma_wait3A_270] : memref<2x5x40x128xf32, #tpu.memory_space<vmem>> -> memref<1x1x40x128xf32, #tpu.memory_space<vmem>>
      %dma_wait3A_272 = tpu.memref_squeeze %dma_wait3A_271 : memref<1x1x40x128xf32, #tpu.memory_space<vmem>> -> memref<40x128xf32, #tpu.memory_space<vmem>>
      %dma_wait3A_273 = arith.constant 0 : i32
      %dma_wait3A_274 = arith.constant 0 : i32
      %dma_wait3A_275 = tpu.memref_slice %arg4[%dma_wait3A_273, %dma_wait3A_274] : memref<320000x128xf32, #tpu.memory_space<hbm>> -> memref<40x128xf32, #tpu.memory_space<hbm>>
      tpu.wait_dma2 semaphore(%arg8 : memref<!tpu.dma_semaphore, #tpu.memory_space<semaphore_mem>>) src(%dma_wait3A_275 : memref<40x128xf32, #tpu.memory_space<hbm>>) dst(%dma_wait3A_272 : memref<40x128xf32, #tpu.memory_space<vmem>>)
      %mul3A_276 = arith.constant 5 : i32
      %mul3A_277 = arith.muli %mul3A_145, %mul3A_276 : i32
      %add3A_278 = arith.constant 0 : i32
      %add3A_279 = arith.addi %mul3A_277, %add3A_278 : i32
      %mul3A_280 = arith.constant 40 : i32
      %mul3A_281 = arith.muli %add3A_279, %mul3A_280 : i32
      %add3A_282 = arith.addi %mul3A_2, %mul3A_281 : i32
      %dma_start3A_283 = arith.constant 0 : i32
      %dma_start3A_284 = arith.constant 0 : i32
      %dma_start3A_285 = arith.constant 0 : i32
      %dma_start3A_286 = arith.constant 0 : i32
      %dma_start3A_287 = tpu.memref_slice %arg7[%dma_start3A_283, %dma_start3A_284, %dma_start3A_285, %dma_start3A_286] : memref<2x5x40x128xf32, #tpu.memory_space<vmem>> -> memref<1x1x40x128xf32, #tpu.memory_space<vmem>>
      %dma_start3A_288 = tpu.memref_squeeze %dma_start3A_287 : memref<1x1x40x128xf32, #tpu.memory_space<vmem>> -> memref<40x128xf32, #tpu.memory_space<vmem>>
      %dma_start3A_289 = arith.constant 0 : i32
      %dma_start3A_290 = tpu.memref_slice %arg4[%add3A_282, %dma_start3A_289] : memref<320000x128xf32, #tpu.memory_space<hbm>> -> memref<40x128xf32, #tpu.memory_space<hbm>>
      %dma_start3A_291 = arith.constant 0 : i32
      %dma_start3A_292 = tpu.memref_slice %arg4[%add3A_282, %dma_start3A_291] : memref<320000x128xf32, #tpu.memory_space<hbm>> -> memref<40x128xf32, #tpu.memory_space<hbm>>
      %dma_start3A_293 = arith.constant 0 : i32
      %dma_start3A_294 = arith.constant 0 : i32
      %dma_start3A_295 = tpu.memref_slice %arg7[%dma_start3A_283, %dma_start3A_284, %dma_start3A_293, %dma_start3A_294] : memref<2x5x40x128xf32, #tpu.memory_space<vmem>> -> memref<1x1x40x128xf32, #tpu.memory_space<vmem>>
      %dma_start3A_296 = tpu.memref_squeeze %dma_start3A_295 : memref<1x1x40x128xf32, #tpu.memory_space<vmem>> -> memref<40x128xf32, #tpu.memory_space<vmem>>
      tpu.enqueue_dma source(%dma_start3A_296 : memref<40x128xf32, #tpu.memory_space<vmem>>) target(%dma_start3A_292 : memref<40x128xf32, #tpu.memory_space<hbm>>) target_semaphore(%arg18 : memref<!tpu.dma_semaphore, #tpu.memory_space<semaphore_mem>>)
      %dma_wait3A_297 = arith.constant 0 : i32
      %dma_wait3A_298 = arith.constant 1 : i32
      %dma_wait3A_299 = arith.constant 0 : i32
      %dma_wait3A_300 = arith.constant 0 : i32
      %dma_wait3A_301 = tpu.memref_slice %arg7[%dma_wait3A_297, %dma_wait3A_298, %dma_wait3A_299, %dma_wait3A_300] : memref<2x5x40x128xf32, #tpu.memory_space<vmem>> -> memref<1x1x40x128xf32, #tpu.memory_space<vmem>>
      %dma_wait3A_302 = tpu.memref_squeeze %dma_wait3A_301 : memref<1x1x40x128xf32, #tpu.memory_space<vmem>> -> memref<40x128xf32, #tpu.memory_space<vmem>>
      %dma_wait3A_303 = arith.constant 0 : i32
      %dma_wait3A_304 = arith.constant 0 : i32
      %dma_wait3A_305 = tpu.memref_slice %arg4[%dma_wait3A_303, %dma_wait3A_304] : memref<320000x128xf32, #tpu.memory_space<hbm>> -> memref<40x128xf32, #tpu.memory_space<hbm>>
      %dma_wait3A_306 = arith.constant 0 : i32
      %dma_wait3A_307 = arith.constant 0 : i32
      %dma_wait3A_308 = tpu.memref_slice %arg7[%dma_wait3A_297, %dma_wait3A_298, %dma_wait3A_306, %dma_wait3A_307] : memref<2x5x40x128xf32, #tpu.memory_space<vmem>> -> memref<1x1x40x128xf32, #tpu.memory_space<vmem>>
      %dma_wait3A_309 = tpu.memref_squeeze %dma_wait3A_308 : memref<1x1x40x128xf32, #tpu.memory_space<vmem>> -> memref<40x128xf32, #tpu.memory_space<vmem>>
      %dma_wait3A_310 = arith.constant 0 : i32
      %dma_wait3A_311 = arith.constant 0 : i32
      %dma_wait3A_312 = tpu.memref_slice %arg4[%dma_wait3A_310, %dma_wait3A_311] : memref<320000x128xf32, #tpu.memory_space<hbm>> -> memref<40x128xf32, #tpu.memory_space<hbm>>
      tpu.wait_dma2 semaphore(%arg9 : memref<!tpu.dma_semaphore, #tpu.memory_space<semaphore_mem>>) src(%dma_wait3A_312 : memref<40x128xf32, #tpu.memory_space<hbm>>) dst(%dma_wait3A_309 : memref<40x128xf32, #tpu.memory_space<vmem>>)
      %mul3A_313 = arith.constant 5 : i32
      %mul3A_314 = arith.muli %mul3A_145, %mul3A_313 : i32
      %add3A_315 = arith.constant 1 : i32
      %add3A_316 = arith.addi %mul3A_314, %add3A_315 : i32
      %mul3A_317 = arith.constant 40 : i32
      %mul3A_318 = arith.muli %add3A_316, %mul3A_317 : i32
      %add3A_319 = arith.addi %mul3A_2, %mul3A_318 : i32
      %dma_start3A_320 = arith.constant 0 : i32
      %dma_start3A_321 = arith.constant 1 : i32
      %dma_start3A_322 = arith.constant 0 : i32
      %dma_start3A_323 = arith.constant 0 : i32
      %dma_start3A_324 = tpu.memref_slice %arg7[%dma_start3A_320, %dma_start3A_321, %dma_start3A_322, %dma_start3A_323] : memref<2x5x40x128xf32, #tpu.memory_space<vmem>> -> memref<1x1x40x128xf32, #tpu.memory_space<vmem>>
      %dma_start3A_325 = tpu.memref_squeeze %dma_start3A_324 : memref<1x1x40x128xf32, #tpu.memory_space<vmem>> -> memref<40x128xf32, #tpu.memory_space<vmem>>
      %dma_start3A_326 = arith.constant 0 : i32
      %dma_start3A_327 = tpu.memref_slice %arg4[%add3A_319, %dma_start3A_326] : memref<320000x128xf32, #tpu.memory_space<hbm>> -> memref<40x128xf32, #tpu.memory_space<hbm>>
      %dma_start3A_328 = arith.constant 0 : i32
      %dma_start3A_329 = tpu.memref_slice %arg4[%add3A_319, %dma_start3A_328] : memref<320000x128xf32, #tpu.memory_space<hbm>> -> memref<40x128xf32, #tpu.memory_space<hbm>>
      %dma_start3A_330 = arith.constant 0 : i32
      %dma_start3A_331 = arith.constant 0 : i32
      %dma_start3A_332 = tpu.memref_slice %arg7[%dma_start3A_320, %dma_start3A_321, %dma_start3A_330, %dma_start3A_331] : memref<2x5x40x128xf32, #tpu.memory_space<vmem>> -> memref<1x1x40x128xf32, #tpu.memory_space<vmem>>
      %dma_start3A_333 = tpu.memref_squeeze %dma_start3A_332 : memref<1x1x40x128xf32, #tpu.memory_space<vmem>> -> memref<40x128xf32, #tpu.memory_space<vmem>>
      tpu.enqueue_dma source(%dma_start3A_333 : memref<40x128xf32, #tpu.memory_space<vmem>>) target(%dma_start3A_329 : memref<40x128xf32, #tpu.memory_space<hbm>>) target_semaphore(%arg19 : memref<!tpu.dma_semaphore, #tpu.memory_space<semaphore_mem>>)
      %dma_wait3A_334 = arith.constant 0 : i32
      %dma_wait3A_335 = arith.constant 2 : i32
      %dma_wait3A_336 = arith.constant 0 : i32
      %dma_wait3A_337 = arith.constant 0 : i32
      %dma_wait3A_338 = tpu.memref_slice %arg7[%dma_wait3A_334, %dma_wait3A_335, %dma_wait3A_336, %dma_wait3A_337] : memref<2x5x40x128xf32, #tpu.memory_space<vmem>> -> memref<1x1x40x128xf32, #tpu.memory_space<vmem>>
      %dma_wait3A_339 = tpu.memref_squeeze %dma_wait3A_338 : memref<1x1x40x128xf32, #tpu.memory_space<vmem>> -> memref<40x128xf32, #tpu.memory_space<vmem>>
      %dma_wait3A_340 = arith.constant 0 : i32
      %dma_wait3A_341 = arith.constant 0 : i32
      %dma_wait3A_342 = tpu.memref_slice %arg4[%dma_wait3A_340, %dma_wait3A_341] : memref<320000x128xf32, #tpu.memory_space<hbm>> -> memref<40x128xf32, #tpu.memory_space<hbm>>
      %dma_wait3A_343 = arith.constant 0 : i32
      %dma_wait3A_344 = arith.constant 0 : i32
      %dma_wait3A_345 = tpu.memref_slice %arg7[%dma_wait3A_334, %dma_wait3A_335, %dma_wait3A_343, %dma_wait3A_344] : memref<2x5x40x128xf32, #tpu.memory_space<vmem>> -> memref<1x1x40x128xf32, #tpu.memory_space<vmem>>
      %dma_wait3A_346 = tpu.memref_squeeze %dma_wait3A_345 : memref<1x1x40x128xf32, #tpu.memory_space<vmem>> -> memref<40x128xf32, #tpu.memory_space<vmem>>
      %dma_wait3A_347 = arith.constant 0 : i32
      %dma_wait3A_348 = arith.constant 0 : i32
      %dma_wait3A_349 = tpu.memref_slice %arg4[%dma_wait3A_347, %dma_wait3A_348] : memref<320000x128xf32, #tpu.memory_space<hbm>> -> memref<40x128xf32, #tpu.memory_space<hbm>>
      tpu.wait_dma2 semaphore(%arg10 : memref<!tpu.dma_semaphore, #tpu.memory_space<semaphore_mem>>) src(%dma_wait3A_349 : memref<40x128xf32, #tpu.memory_space<hbm>>) dst(%dma_wait3A_346 : memref<40x128xf32, #tpu.memory_space<vmem>>)
      %mul3A_350 = arith.constant 5 : i32
      %mul3A_351 = arith.muli %mul3A_145, %mul3A_350 : i32
      %add3A_352 = arith.constant 2 : i32
      %add3A_353 = arith.addi %mul3A_351, %add3A_352 : i32
      %mul3A_354 = arith.constant 40 : i32
      %mul3A_355 = arith.muli %add3A_353, %mul3A_354 : i32
      %add3A_356 = arith.addi %mul3A_2, %mul3A_355 : i32
      %dma_start3A_357 = arith.constant 0 : i32
      %dma_start3A_358 = arith.constant 2 : i32
      %dma_start3A_359 = arith.constant 0 : i32
      %dma_start3A_360 = arith.constant 0 : i32
      %dma_start3A_361 = tpu.memref_slice %arg7[%dma_start3A_357, %dma_start3A_358, %dma_start3A_359, %dma_start3A_360] : memref<2x5x40x128xf32, #tpu.memory_space<vmem>> -> memref<1x1x40x128xf32, #tpu.memory_space<vmem>>
      %dma_start3A_362 = tpu.memref_squeeze %dma_start3A_361 : memref<1x1x40x128xf32, #tpu.memory_space<vmem>> -> memref<40x128xf32, #tpu.memory_space<vmem>>
      %dma_start3A_363 = arith.constant 0 : i32
      %dma_start3A_364 = tpu.memref_slice %arg4[%add3A_356, %dma_start3A_363] : memref<320000x128xf32, #tpu.memory_space<hbm>> -> memref<40x128xf32, #tpu.memory_space<hbm>>
      %dma_start3A_365 = arith.constant 0 : i32
      %dma_start3A_366 = tpu.memref_slice %arg4[%add3A_356, %dma_start3A_365] : memref<320000x128xf32, #tpu.memory_space<hbm>> -> memref<40x128xf32, #tpu.memory_space<hbm>>
      %dma_start3A_367 = arith.constant 0 : i32
      %dma_start3A_368 = arith.constant 0 : i32
      %dma_start3A_369 = tpu.memref_slice %arg7[%dma_start3A_357, %dma_start3A_358, %dma_start3A_367, %dma_start3A_368] : memref<2x5x40x128xf32, #tpu.memory_space<vmem>> -> memref<1x1x40x128xf32, #tpu.memory_space<vmem>>
      %dma_start3A_370 = tpu.memref_squeeze %dma_start3A_369 : memref<1x1x40x128xf32, #tpu.memory_space<vmem>> -> memref<40x128xf32, #tpu.memory_space<vmem>>
      tpu.enqueue_dma source(%dma_start3A_370 : memref<40x128xf32, #tpu.memory_space<vmem>>) target(%dma_start3A_366 : memref<40x128xf32, #tpu.memory_space<hbm>>) target_semaphore(%arg20 : memref<!tpu.dma_semaphore, #tpu.memory_space<semaphore_mem>>)
      %dma_wait3A_371 = arith.constant 0 : i32
      %dma_wait3A_372 = arith.constant 3 : i32
      %dma_wait3A_373 = arith.constant 0 : i32
      %dma_wait3A_374 = arith.constant 0 : i32
      %dma_wait3A_375 = tpu.memref_slice %arg7[%dma_wait3A_371, %dma_wait3A_372, %dma_wait3A_373, %dma_wait3A_374] : memref<2x5x40x128xf32, #tpu.memory_space<vmem>> -> memref<1x1x40x128xf32, #tpu.memory_space<vmem>>
      %dma_wait3A_376 = tpu.memref_squeeze %dma_wait3A_375 : memref<1x1x40x128xf32, #tpu.memory_space<vmem>> -> memref<40x128xf32, #tpu.memory_space<vmem>>
      %dma_wait3A_377 = arith.constant 0 : i32
      %dma_wait3A_378 = arith.constant 0 : i32
      %dma_wait3A_379 = tpu.memref_slice %arg4[%dma_wait3A_377, %dma_wait3A_378] : memref<320000x128xf32, #tpu.memory_space<hbm>> -> memref<40x128xf32, #tpu.memory_space<hbm>>
      %dma_wait3A_380 = arith.constant 0 : i32
      %dma_wait3A_381 = arith.constant 0 : i32
      %dma_wait3A_382 = tpu.memref_slice %arg7[%dma_wait3A_371, %dma_wait3A_372, %dma_wait3A_380, %dma_wait3A_381] : memref<2x5x40x128xf32, #tpu.memory_space<vmem>> -> memref<1x1x40x128xf32, #tpu.memory_space<vmem>>
      %dma_wait3A_383 = tpu.memref_squeeze %dma_wait3A_382 : memref<1x1x40x128xf32, #tpu.memory_space<vmem>> -> memref<40x128xf32, #tpu.memory_space<vmem>>
      %dma_wait3A_384 = arith.constant 0 : i32
      %dma_wait3A_385 = arith.constant 0 : i32
      %dma_wait3A_386 = tpu.memref_slice %arg4[%dma_wait3A_384, %dma_wait3A_385] : memref<320000x128xf32, #tpu.memory_space<hbm>> -> memref<40x128xf32, #tpu.memory_space<hbm>>
      tpu.wait_dma2 semaphore(%arg11 : memref<!tpu.dma_semaphore, #tpu.memory_space<semaphore_mem>>) src(%dma_wait3A_386 : memref<40x128xf32, #tpu.memory_space<hbm>>) dst(%dma_wait3A_383 : memref<40x128xf32, #tpu.memory_space<vmem>>)
      %mul3A_387 = arith.constant 5 : i32
      %mul3A_388 = arith.muli %mul3A_145, %mul3A_387 : i32
      %add3A_389 = arith.constant 3 : i32
      %add3A_390 = arith.addi %mul3A_388, %add3A_389 : i32
      %mul3A_391 = arith.constant 40 : i32
      %mul3A_392 = arith.muli %add3A_390, %mul3A_391 : i32
      %add3A_393 = arith.addi %mul3A_2, %mul3A_392 : i32
      %dma_start3A_394 = arith.constant 0 : i32
      %dma_start3A_395 = arith.constant 3 : i32
      %dma_start3A_396 = arith.constant 0 : i32
      %dma_start3A_397 = arith.constant 0 : i32
      %dma_start3A_398 = tpu.memref_slice %arg7[%dma_start3A_394, %dma_start3A_395, %dma_start3A_396, %dma_start3A_397] : memref<2x5x40x128xf32, #tpu.memory_space<vmem>> -> memref<1x1x40x128xf32, #tpu.memory_space<vmem>>
      %dma_start3A_399 = tpu.memref_squeeze %dma_start3A_398 : memref<1x1x40x128xf32, #tpu.memory_space<vmem>> -> memref<40x128xf32, #tpu.memory_space<vmem>>
      %dma_start3A_400 = arith.constant 0 : i32
      %dma_start3A_401 = tpu.memref_slice %arg4[%add3A_393, %dma_start3A_400] : memref<320000x128xf32, #tpu.memory_space<hbm>> -> memref<40x128xf32, #tpu.memory_space<hbm>>
      %dma_start3A_402 = arith.constant 0 : i32
      %dma_start3A_403 = tpu.memref_slice %arg4[%add3A_393, %dma_start3A_402] : memref<320000x128xf32, #tpu.memory_space<hbm>> -> memref<40x128xf32, #tpu.memory_space<hbm>>
      %dma_start3A_404 = arith.constant 0 : i32
      %dma_start3A_405 = arith.constant 0 : i32
      %dma_start3A_406 = tpu.memref_slice %arg7[%dma_start3A_394, %dma_start3A_395, %dma_start3A_404, %dma_start3A_405] : memref<2x5x40x128xf32, #tpu.memory_space<vmem>> -> memref<1x1x40x128xf32, #tpu.memory_space<vmem>>
      %dma_start3A_407 = tpu.memref_squeeze %dma_start3A_406 : memref<1x1x40x128xf32, #tpu.memory_space<vmem>> -> memref<40x128xf32, #tpu.memory_space<vmem>>
      tpu.enqueue_dma source(%dma_start3A_407 : memref<40x128xf32, #tpu.memory_space<vmem>>) target(%dma_start3A_403 : memref<40x128xf32, #tpu.memory_space<hbm>>) target_semaphore(%arg21 : memref<!tpu.dma_semaphore, #tpu.memory_space<semaphore_mem>>)
      %dma_wait3A_408 = arith.constant 0 : i32
      %dma_wait3A_409 = arith.constant 4 : i32
      %dma_wait3A_410 = arith.constant 0 : i32
      %dma_wait3A_411 = arith.constant 0 : i32
      %dma_wait3A_412 = tpu.memref_slice %arg7[%dma_wait3A_408, %dma_wait3A_409, %dma_wait3A_410, %dma_wait3A_411] : memref<2x5x40x128xf32, #tpu.memory_space<vmem>> -> memref<1x1x40x128xf32, #tpu.memory_space<vmem>>
      %dma_wait3A_413 = tpu.memref_squeeze %dma_wait3A_412 : memref<1x1x40x128xf32, #tpu.memory_space<vmem>> -> memref<40x128xf32, #tpu.memory_space<vmem>>
      %dma_wait3A_414 = arith.constant 0 : i32
      %dma_wait3A_415 = arith.constant 0 : i32
      %dma_wait3A_416 = tpu.memref_slice %arg4[%dma_wait3A_414, %dma_wait3A_415] : memref<320000x128xf32, #tpu.memory_space<hbm>> -> memref<40x128xf32, #tpu.memory_space<hbm>>
      %dma_wait3A_417 = arith.constant 0 : i32
      %dma_wait3A_418 = arith.constant 0 : i32
      %dma_wait3A_419 = tpu.memref_slice %arg7[%dma_wait3A_408, %dma_wait3A_409, %dma_wait3A_417, %dma_wait3A_418] : memref<2x5x40x128xf32, #tpu.memory_space<vmem>> -> memref<1x1x40x128xf32, #tpu.memory_space<vmem>>
      %dma_wait3A_420 = tpu.memref_squeeze %dma_wait3A_419 : memref<1x1x40x128xf32, #tpu.memory_space<vmem>> -> memref<40x128xf32, #tpu.memory_space<vmem>>
      %dma_wait3A_421 = arith.constant 0 : i32
      %dma_wait3A_422 = arith.constant 0 : i32
      %dma_wait3A_423 = tpu.memref_slice %arg4[%dma_wait3A_421, %dma_wait3A_422] : memref<320000x128xf32, #tpu.memory_space<hbm>> -> memref<40x128xf32, #tpu.memory_space<hbm>>
      tpu.wait_dma2 semaphore(%arg12 : memref<!tpu.dma_semaphore, #tpu.memory_space<semaphore_mem>>) src(%dma_wait3A_423 : memref<40x128xf32, #tpu.memory_space<hbm>>) dst(%dma_wait3A_420 : memref<40x128xf32, #tpu.memory_space<vmem>>)
      %mul3A_424 = arith.constant 5 : i32
      %mul3A_425 = arith.muli %mul3A_145, %mul3A_424 : i32
      %add3A_426 = arith.constant 4 : i32
      %add3A_427 = arith.addi %mul3A_425, %add3A_426 : i32
      %mul3A_428 = arith.constant 40 : i32
      %mul3A_429 = arith.muli %add3A_427, %mul3A_428 : i32
      %add3A_430 = arith.addi %mul3A_2, %mul3A_429 : i32
      %dma_start3A_431 = arith.constant 0 : i32
      %dma_start3A_432 = arith.constant 4 : i32
      %dma_start3A_433 = arith.constant 0 : i32
      %dma_start3A_434 = arith.constant 0 : i32
      %dma_start3A_435 = tpu.memref_slice %arg7[%dma_start3A_431, %dma_start3A_432, %dma_start3A_433, %dma_start3A_434] : memref<2x5x40x128xf32, #tpu.memory_space<vmem>> -> memref<1x1x40x128xf32, #tpu.memory_space<vmem>>
      %dma_start3A_436 = tpu.memref_squeeze %dma_start3A_435 : memref<1x1x40x128xf32, #tpu.memory_space<vmem>> -> memref<40x128xf32, #tpu.memory_space<vmem>>
      %dma_start3A_437 = arith.constant 0 : i32
      %dma_start3A_438 = tpu.memref_slice %arg4[%add3A_430, %dma_start3A_437] : memref<320000x128xf32, #tpu.memory_space<hbm>> -> memref<40x128xf32, #tpu.memory_space<hbm>>
      %dma_start3A_439 = arith.constant 0 : i32
      %dma_start3A_440 = tpu.memref_slice %arg4[%add3A_430, %dma_start3A_439] : memref<320000x128xf32, #tpu.memory_space<hbm>> -> memref<40x128xf32, #tpu.memory_space<hbm>>
      %dma_start3A_441 = arith.constant 0 : i32
      %dma_start3A_442 = arith.constant 0 : i32
      %dma_start3A_443 = tpu.memref_slice %arg7[%dma_start3A_431, %dma_start3A_432, %dma_start3A_441, %dma_start3A_442] : memref<2x5x40x128xf32, #tpu.memory_space<vmem>> -> memref<1x1x40x128xf32, #tpu.memory_space<vmem>>
      %dma_start3A_444 = tpu.memref_squeeze %dma_start3A_443 : memref<1x1x40x128xf32, #tpu.memory_space<vmem>> -> memref<40x128xf32, #tpu.memory_space<vmem>>
      tpu.enqueue_dma source(%dma_start3A_444 : memref<40x128xf32, #tpu.memory_space<vmem>>) target(%dma_start3A_440 : memref<40x128xf32, #tpu.memory_space<hbm>>) target_semaphore(%arg22 : memref<!tpu.dma_semaphore, #tpu.memory_space<semaphore_mem>>)
      %dma_wait3A_445 = arith.constant 0 : i32
      %dma_wait3A_446 = arith.constant 0 : i32
      %dma_wait3A_447 = arith.constant 0 : i32
      %dma_wait3A_448 = arith.constant 0 : i32
      %dma_wait3A_449 = tpu.memref_slice %arg7[%dma_wait3A_445, %dma_wait3A_446, %dma_wait3A_447, %dma_wait3A_448] : memref<2x5x40x128xf32, #tpu.memory_space<vmem>> -> memref<1x1x40x128xf32, #tpu.memory_space<vmem>>
      %dma_wait3A_450 = tpu.memref_squeeze %dma_wait3A_449 : memref<1x1x40x128xf32, #tpu.memory_space<vmem>> -> memref<40x128xf32, #tpu.memory_space<vmem>>
      %dma_wait3A_451 = arith.constant 0 : i32
      %dma_wait3A_452 = arith.constant 0 : i32
      %dma_wait3A_453 = tpu.memref_slice %arg4[%dma_wait3A_451, %dma_wait3A_452] : memref<320000x128xf32, #tpu.memory_space<hbm>> -> memref<40x128xf32, #tpu.memory_space<hbm>>
      %dma_wait3A_454 = arith.constant 0 : i32
      %dma_wait3A_455 = arith.constant 0 : i32
      %dma_wait3A_456 = tpu.memref_slice %arg7[%dma_wait3A_445, %dma_wait3A_446, %dma_wait3A_454, %dma_wait3A_455] : memref<2x5x40x128xf32, #tpu.memory_space<vmem>> -> memref<1x1x40x128xf32, #tpu.memory_space<vmem>>
      %dma_wait3A_457 = tpu.memref_squeeze %dma_wait3A_456 : memref<1x1x40x128xf32, #tpu.memory_space<vmem>> -> memref<40x128xf32, #tpu.memory_space<vmem>>
      %dma_wait3A_458 = arith.constant 0 : i32
      %dma_wait3A_459 = arith.constant 0 : i32
      %dma_wait3A_460 = tpu.memref_slice %arg4[%dma_wait3A_458, %dma_wait3A_459] : memref<320000x128xf32, #tpu.memory_space<hbm>> -> memref<40x128xf32, #tpu.memory_space<hbm>>
      tpu.wait_dma2 semaphore(%arg18 : memref<!tpu.dma_semaphore, #tpu.memory_space<semaphore_mem>>) src(%dma_wait3A_460 : memref<40x128xf32, #tpu.memory_space<hbm>>) dst(%dma_wait3A_457 : memref<40x128xf32, #tpu.memory_space<vmem>>)
      %lt3A = arith.constant 24 : i32
      %lt3A_461 = arith.cmpi slt, %scan3A_143, %lt3A : i32
      %convert_element_type3A_462 = arith.extui %lt3A_461 : i1 to i32
      %cond3A_463 = arith.constant 0 : i32
      %cond3A_464 = arith.cmpi ne, %convert_element_type3A_462, %cond3A_463 : i32
      scf.if %cond3A_464 {
        %add3A_744 = arith.constant 2 : i32
        %add3A_745 = arith.addi %mul3A_145, %add3A_744 : i32
        %mul3A_746 = arith.constant 5 : i32
        %mul3A_747 = arith.muli %add3A_745, %mul3A_746 : i32
        %add3A_748 = arith.constant 0 : i32
        %add3A_749 = arith.addi %mul3A_747, %add3A_748 : i32
        %mul3A_750 = arith.constant 40 : i32
        %mul3A_751 = arith.muli %add3A_749, %mul3A_750 : i32
        %dma_start3A_752 = arith.constant 0 : i32
        %dma_start3A_753 = arith.constant 0 : i32
        %dma_start3A_754 = arith.constant 0 : i32
        %dma_start3A_755 = arith.constant 0 : i32
        %dma_start3A_756 = tpu.memref_slice %arg7[%dma_start3A_752, %dma_start3A_753, %dma_start3A_754, %dma_start3A_755] : memref<2x5x40x128xf32, #tpu.memory_space<vmem>> -> memref<1x1x40x128xf32, #tpu.memory_space<vmem>>
        %dma_start3A_757 = tpu.memref_squeeze %dma_start3A_756 : memref<1x1x40x128xf32, #tpu.memory_space<vmem>> -> memref<40x128xf32, #tpu.memory_space<vmem>>
        %dma_start3A_758 = tpu.memref_slice %arg6[%mul3A_751] : memref<10000xi32, #tpu.memory_space<vmem>> -> memref<40xi32, #tpu.memory_space<vmem>>
        %dma_start3A_759 = arith.constant 0 : i32
        %dma_start3A_760 = arith.constant 0 : i32
        %dma_start3A_761 = tpu.memref_slice %arg5[%dma_start3A_759, %dma_start3A_760] : memref<40x128xf32, #tpu.memory_space<vmem_shared>> -> memref<40x128xf32, #tpu.memory_space<vmem_shared>>
        tpu.enqueue_indirect_dma source(%dma_start3A_761 : memref<40x128xf32, #tpu.memory_space<vmem_shared>>) target(%dma_start3A_757 : memref<40x128xf32, #tpu.memory_space<vmem>>) offsets(%dma_start3A_758 : memref<40xi32, #tpu.memory_space<vmem>>) semaphore(%arg8 : memref<!tpu.dma_semaphore, #tpu.memory_space<semaphore_mem>>)
      } else {
      }
      %dma_wait3A_465 = arith.constant 0 : i32
      %dma_wait3A_466 = arith.constant 1 : i32
      %dma_wait3A_467 = arith.constant 0 : i32
      %dma_wait3A_468 = arith.constant 0 : i32
      %dma_wait3A_469 = tpu.memref_slice %arg7[%dma_wait3A_465, %dma_wait3A_466, %dma_wait3A_467, %dma_wait3A_468] : memref<2x5x40x128xf32, #tpu.memory_space<vmem>> -> memref<1x1x40x128xf32, #tpu.memory_space<vmem>>
      %dma_wait3A_470 = tpu.memref_squeeze %dma_wait3A_469 : memref<1x1x40x128xf32, #tpu.memory_space<vmem>> -> memref<40x128xf32, #tpu.memory_space<vmem>>
      %dma_wait3A_471 = arith.constant 0 : i32
      %dma_wait3A_472 = arith.constant 0 : i32
      %dma_wait3A_473 = tpu.memref_slice %arg4[%dma_wait3A_471, %dma_wait3A_472] : memref<320000x128xf32, #tpu.memory_space<hbm>> -> memref<40x128xf32, #tpu.memory_space<hbm>>
      %dma_wait3A_474 = arith.constant 0 : i32
      %dma_wait3A_475 = arith.constant 0 : i32
      %dma_wait3A_476 = tpu.memref_slice %arg7[%dma_wait3A_465, %dma_wait3A_466, %dma_wait3A_474, %dma_wait3A_475] : memref<2x5x40x128xf32, #tpu.memory_space<vmem>> -> memref<1x1x40x128xf32, #tpu.memory_space<vmem>>
      %dma_wait3A_477 = tpu.memref_squeeze %dma_wait3A_476 : memref<1x1x40x128xf32, #tpu.memory_space<vmem>> -> memref<40x128xf32, #tpu.memory_space<vmem>>
      %dma_wait3A_478 = arith.constant 0 : i32
      %dma_wait3A_479 = arith.constant 0 : i32
      %dma_wait3A_480 = tpu.memref_slice %arg4[%dma_wait3A_478, %dma_wait3A_479] : memref<320000x128xf32, #tpu.memory_space<hbm>> -> memref<40x128xf32, #tpu.memory_space<hbm>>
      tpu.wait_dma2 semaphore(%arg19 : memref<!tpu.dma_semaphore, #tpu.memory_space<semaphore_mem>>) src(%dma_wait3A_480 : memref<40x128xf32, #tpu.memory_space<hbm>>) dst(%dma_wait3A_477 : memref<40x128xf32, #tpu.memory_space<vmem>>)
      %lt3A_481 = arith.constant 24 : i32
      %lt3A_482 = arith.cmpi slt, %scan3A_143, %lt3A_481 : i32
      %convert_element_type3A_483 = arith.extui %lt3A_482 : i1 to i32
      %cond3A_484 = arith.constant 0 : i32
      %cond3A_485 = arith.cmpi ne, %convert_element_type3A_483, %cond3A_484 : i32
      scf.if %cond3A_485 {
        %add3A_744 = arith.constant 2 : i32
        %add3A_745 = arith.addi %mul3A_145, %add3A_744 : i32
        %mul3A_746 = arith.constant 5 : i32
        %mul3A_747 = arith.muli %add3A_745, %mul3A_746 : i32
        %add3A_748 = arith.constant 1 : i32
        %add3A_749 = arith.addi %mul3A_747, %add3A_748 : i32
        %mul3A_750 = arith.constant 40 : i32
        %mul3A_751 = arith.muli %add3A_749, %mul3A_750 : i32
        %dma_start3A_752 = arith.constant 0 : i32
        %dma_start3A_753 = arith.constant 1 : i32
        %dma_start3A_754 = arith.constant 0 : i32
        %dma_start3A_755 = arith.constant 0 : i32
        %dma_start3A_756 = tpu.memref_slice %arg7[%dma_start3A_752, %dma_start3A_753, %dma_start3A_754, %dma_start3A_755] : memref<2x5x40x128xf32, #tpu.memory_space<vmem>> -> memref<1x1x40x128xf32, #tpu.memory_space<vmem>>
        %dma_start3A_757 = tpu.memref_squeeze %dma_start3A_756 : memref<1x1x40x128xf32, #tpu.memory_space<vmem>> -> memref<40x128xf32, #tpu.memory_space<vmem>>
        %dma_start3A_758 = tpu.memref_slice %arg6[%mul3A_751] : memref<10000xi32, #tpu.memory_space<vmem>> -> memref<40xi32, #tpu.memory_space<vmem>>
        %dma_start3A_759 = arith.constant 0 : i32
        %dma_start3A_760 = arith.constant 0 : i32
        %dma_start3A_761 = tpu.memref_slice %arg5[%dma_start3A_759, %dma_start3A_760] : memref<40x128xf32, #tpu.memory_space<vmem_shared>> -> memref<40x128xf32, #tpu.memory_space<vmem_shared>>
        tpu.enqueue_indirect_dma source(%dma_start3A_761 : memref<40x128xf32, #tpu.memory_space<vmem_shared>>) target(%dma_start3A_757 : memref<40x128xf32, #tpu.memory_space<vmem>>) offsets(%dma_start3A_758 : memref<40xi32, #tpu.memory_space<vmem>>) semaphore(%arg9 : memref<!tpu.dma_semaphore, #tpu.memory_space<semaphore_mem>>)
      } else {
      }
      %dma_wait3A_486 = arith.constant 0 : i32
      %dma_wait3A_487 = arith.constant 2 : i32
      %dma_wait3A_488 = arith.constant 0 : i32
      %dma_wait3A_489 = arith.constant 0 : i32
      %dma_wait3A_490 = tpu.memref_slice %arg7[%dma_wait3A_486, %dma_wait3A_487, %dma_wait3A_488, %dma_wait3A_489] : memref<2x5x40x128xf32, #tpu.memory_space<vmem>> -> memref<1x1x40x128xf32, #tpu.memory_space<vmem>>
      %dma_wait3A_491 = tpu.memref_squeeze %dma_wait3A_490 : memref<1x1x40x128xf32, #tpu.memory_space<vmem>> -> memref<40x128xf32, #tpu.memory_space<vmem>>
      %dma_wait3A_492 = arith.constant 0 : i32
      %dma_wait3A_493 = arith.constant 0 : i32
      %dma_wait3A_494 = tpu.memref_slice %arg4[%dma_wait3A_492, %dma_wait3A_493] : memref<320000x128xf32, #tpu.memory_space<hbm>> -> memref<40x128xf32, #tpu.memory_space<hbm>>
      %dma_wait3A_495 = arith.constant 0 : i32
      %dma_wait3A_496 = arith.constant 0 : i32
      %dma_wait3A_497 = tpu.memref_slice %arg7[%dma_wait3A_486, %dma_wait3A_487, %dma_wait3A_495, %dma_wait3A_496] : memref<2x5x40x128xf32, #tpu.memory_space<vmem>> -> memref<1x1x40x128xf32, #tpu.memory_space<vmem>>
      %dma_wait3A_498 = tpu.memref_squeeze %dma_wait3A_497 : memref<1x1x40x128xf32, #tpu.memory_space<vmem>> -> memref<40x128xf32, #tpu.memory_space<vmem>>
      %dma_wait3A_499 = arith.constant 0 : i32
      %dma_wait3A_500 = arith.constant 0 : i32
      %dma_wait3A_501 = tpu.memref_slice %arg4[%dma_wait3A_499, %dma_wait3A_500] : memref<320000x128xf32, #tpu.memory_space<hbm>> -> memref<40x128xf32, #tpu.memory_space<hbm>>
      tpu.wait_dma2 semaphore(%arg20 : memref<!tpu.dma_semaphore, #tpu.memory_space<semaphore_mem>>) src(%dma_wait3A_501 : memref<40x128xf32, #tpu.memory_space<hbm>>) dst(%dma_wait3A_498 : memref<40x128xf32, #tpu.memory_space<vmem>>)
      %lt3A_502 = arith.constant 24 : i32
      %lt3A_503 = arith.cmpi slt, %scan3A_143, %lt3A_502 : i32
      %convert_element_type3A_504 = arith.extui %lt3A_503 : i1 to i32
      %cond3A_505 = arith.constant 0 : i32
      %cond3A_506 = arith.cmpi ne, %convert_element_type3A_504, %cond3A_505 : i32
      scf.if %cond3A_506 {
        %add3A_744 = arith.constant 2 : i32
        %add3A_745 = arith.addi %mul3A_145, %add3A_744 : i32
        %mul3A_746 = arith.constant 5 : i32
        %mul3A_747 = arith.muli %add3A_745, %mul3A_746 : i32
        %add3A_748 = arith.constant 2 : i32
        %add3A_749 = arith.addi %mul3A_747, %add3A_748 : i32
        %mul3A_750 = arith.constant 40 : i32
        %mul3A_751 = arith.muli %add3A_749, %mul3A_750 : i32
        %dma_start3A_752 = arith.constant 0 : i32
        %dma_start3A_753 = arith.constant 2 : i32
        %dma_start3A_754 = arith.constant 0 : i32
        %dma_start3A_755 = arith.constant 0 : i32
        %dma_start3A_756 = tpu.memref_slice %arg7[%dma_start3A_752, %dma_start3A_753, %dma_start3A_754, %dma_start3A_755] : memref<2x5x40x128xf32, #tpu.memory_space<vmem>> -> memref<1x1x40x128xf32, #tpu.memory_space<vmem>>
        %dma_start3A_757 = tpu.memref_squeeze %dma_start3A_756 : memref<1x1x40x128xf32, #tpu.memory_space<vmem>> -> memref<40x128xf32, #tpu.memory_space<vmem>>
        %dma_start3A_758 = tpu.memref_slice %arg6[%mul3A_751] : memref<10000xi32, #tpu.memory_space<vmem>> -> memref<40xi32, #tpu.memory_space<vmem>>
        %dma_start3A_759 = arith.constant 0 : i32
        %dma_start3A_760 = arith.constant 0 : i32
        %dma_start3A_761 = tpu.memref_slice %arg5[%dma_start3A_759, %dma_start3A_760] : memref<40x128xf32, #tpu.memory_space<vmem_shared>> -> memref<40x128xf32, #tpu.memory_space<vmem_shared>>
        tpu.enqueue_indirect_dma source(%dma_start3A_761 : memref<40x128xf32, #tpu.memory_space<vmem_shared>>) target(%dma_start3A_757 : memref<40x128xf32, #tpu.memory_space<vmem>>) offsets(%dma_start3A_758 : memref<40xi32, #tpu.memory_space<vmem>>) semaphore(%arg10 : memref<!tpu.dma_semaphore, #tpu.memory_space<semaphore_mem>>)
      } else {
      }
      %dma_wait3A_507 = arith.constant 0 : i32
      %dma_wait3A_508 = arith.constant 3 : i32
      %dma_wait3A_509 = arith.constant 0 : i32
      %dma_wait3A_510 = arith.constant 0 : i32
      %dma_wait3A_511 = tpu.memref_slice %arg7[%dma_wait3A_507, %dma_wait3A_508, %dma_wait3A_509, %dma_wait3A_510] : memref<2x5x40x128xf32, #tpu.memory_space<vmem>> -> memref<1x1x40x128xf32, #tpu.memory_space<vmem>>
      %dma_wait3A_512 = tpu.memref_squeeze %dma_wait3A_511 : memref<1x1x40x128xf32, #tpu.memory_space<vmem>> -> memref<40x128xf32, #tpu.memory_space<vmem>>
      %dma_wait3A_513 = arith.constant 0 : i32
      %dma_wait3A_514 = arith.constant 0 : i32
      %dma_wait3A_515 = tpu.memref_slice %arg4[%dma_wait3A_513, %dma_wait3A_514] : memref<320000x128xf32, #tpu.memory_space<hbm>> -> memref<40x128xf32, #tpu.memory_space<hbm>>
      %dma_wait3A_516 = arith.constant 0 : i32
      %dma_wait3A_517 = arith.constant 0 : i32
      %dma_wait3A_518 = tpu.memref_slice %arg7[%dma_wait3A_507, %dma_wait3A_508, %dma_wait3A_516, %dma_wait3A_517] : memref<2x5x40x128xf32, #tpu.memory_space<vmem>> -> memref<1x1x40x128xf32, #tpu.memory_space<vmem>>
      %dma_wait3A_519 = tpu.memref_squeeze %dma_wait3A_518 : memref<1x1x40x128xf32, #tpu.memory_space<vmem>> -> memref<40x128xf32, #tpu.memory_space<vmem>>
      %dma_wait3A_520 = arith.constant 0 : i32
      %dma_wait3A_521 = arith.constant 0 : i32
      %dma_wait3A_522 = tpu.memref_slice %arg4[%dma_wait3A_520, %dma_wait3A_521] : memref<320000x128xf32, #tpu.memory_space<hbm>> -> memref<40x128xf32, #tpu.memory_space<hbm>>
      tpu.wait_dma2 semaphore(%arg21 : memref<!tpu.dma_semaphore, #tpu.memory_space<semaphore_mem>>) src(%dma_wait3A_522 : memref<40x128xf32, #tpu.memory_space<hbm>>) dst(%dma_wait3A_519 : memref<40x128xf32, #tpu.memory_space<vmem>>)
      %lt3A_523 = arith.constant 24 : i32
      %lt3A_524 = arith.cmpi slt, %scan3A_143, %lt3A_523 : i32
      %convert_element_type3A_525 = arith.extui %lt3A_524 : i1 to i32
      %cond3A_526 = arith.constant 0 : i32
      %cond3A_527 = arith.cmpi ne, %convert_element_type3A_525, %cond3A_526 : i32
      scf.if %cond3A_527 {
        %add3A_744 = arith.constant 2 : i32
        %add3A_745 = arith.addi %mul3A_145, %add3A_744 : i32
        %mul3A_746 = arith.constant 5 : i32
        %mul3A_747 = arith.muli %add3A_745, %mul3A_746 : i32
        %add3A_748 = arith.constant 3 : i32
        %add3A_749 = arith.addi %mul3A_747, %add3A_748 : i32
        %mul3A_750 = arith.constant 40 : i32
        %mul3A_751 = arith.muli %add3A_749, %mul3A_750 : i32
        %dma_start3A_752 = arith.constant 0 : i32
        %dma_start3A_753 = arith.constant 3 : i32
        %dma_start3A_754 = arith.constant 0 : i32
        %dma_start3A_755 = arith.constant 0 : i32
        %dma_start3A_756 = tpu.memref_slice %arg7[%dma_start3A_752, %dma_start3A_753, %dma_start3A_754, %dma_start3A_755] : memref<2x5x40x128xf32, #tpu.memory_space<vmem>> -> memref<1x1x40x128xf32, #tpu.memory_space<vmem>>
        %dma_start3A_757 = tpu.memref_squeeze %dma_start3A_756 : memref<1x1x40x128xf32, #tpu.memory_space<vmem>> -> memref<40x128xf32, #tpu.memory_space<vmem>>
        %dma_start3A_758 = tpu.memref_slice %arg6[%mul3A_751] : memref<10000xi32, #tpu.memory_space<vmem>> -> memref<40xi32, #tpu.memory_space<vmem>>
        %dma_start3A_759 = arith.constant 0 : i32
        %dma_start3A_760 = arith.constant 0 : i32
        %dma_start3A_761 = tpu.memref_slice %arg5[%dma_start3A_759, %dma_start3A_760] : memref<40x128xf32, #tpu.memory_space<vmem_shared>> -> memref<40x128xf32, #tpu.memory_space<vmem_shared>>
        tpu.enqueue_indirect_dma source(%dma_start3A_761 : memref<40x128xf32, #tpu.memory_space<vmem_shared>>) target(%dma_start3A_757 : memref<40x128xf32, #tpu.memory_space<vmem>>) offsets(%dma_start3A_758 : memref<40xi32, #tpu.memory_space<vmem>>) semaphore(%arg11 : memref<!tpu.dma_semaphore, #tpu.memory_space<semaphore_mem>>)
      } else {
      }
      %dma_wait3A_528 = arith.constant 0 : i32
      %dma_wait3A_529 = arith.constant 4 : i32
      %dma_wait3A_530 = arith.constant 0 : i32
      %dma_wait3A_531 = arith.constant 0 : i32
      %dma_wait3A_532 = tpu.memref_slice %arg7[%dma_wait3A_528, %dma_wait3A_529, %dma_wait3A_530, %dma_wait3A_531] : memref<2x5x40x128xf32, #tpu.memory_space<vmem>> -> memref<1x1x40x128xf32, #tpu.memory_space<vmem>>
      %dma_wait3A_533 = tpu.memref_squeeze %dma_wait3A_532 : memref<1x1x40x128xf32, #tpu.memory_space<vmem>> -> memref<40x128xf32, #tpu.memory_space<vmem>>
      %dma_wait3A_534 = arith.constant 0 : i32
      %dma_wait3A_535 = arith.constant 0 : i32
      %dma_wait3A_536 = tpu.memref_slice %arg4[%dma_wait3A_534, %dma_wait3A_535] : memref<320000x128xf32, #tpu.memory_space<hbm>> -> memref<40x128xf32, #tpu.memory_space<hbm>>
      %dma_wait3A_537 = arith.constant 0 : i32
      %dma_wait3A_538 = arith.constant 0 : i32
      %dma_wait3A_539 = tpu.memref_slice %arg7[%dma_wait3A_528, %dma_wait3A_529, %dma_wait3A_537, %dma_wait3A_538] : memref<2x5x40x128xf32, #tpu.memory_space<vmem>> -> memref<1x1x40x128xf32, #tpu.memory_space<vmem>>
      %dma_wait3A_540 = tpu.memref_squeeze %dma_wait3A_539 : memref<1x1x40x128xf32, #tpu.memory_space<vmem>> -> memref<40x128xf32, #tpu.memory_space<vmem>>
      %dma_wait3A_541 = arith.constant 0 : i32
      %dma_wait3A_542 = arith.constant 0 : i32
      %dma_wait3A_543 = tpu.memref_slice %arg4[%dma_wait3A_541, %dma_wait3A_542] : memref<320000x128xf32, #tpu.memory_space<hbm>> -> memref<40x128xf32, #tpu.memory_space<hbm>>
      tpu.wait_dma2 semaphore(%arg22 : memref<!tpu.dma_semaphore, #tpu.memory_space<semaphore_mem>>) src(%dma_wait3A_543 : memref<40x128xf32, #tpu.memory_space<hbm>>) dst(%dma_wait3A_540 : memref<40x128xf32, #tpu.memory_space<vmem>>)
      %lt3A_544 = arith.constant 24 : i32
      %lt3A_545 = arith.cmpi slt, %scan3A_143, %lt3A_544 : i32
      %convert_element_type3A_546 = arith.extui %lt3A_545 : i1 to i32
      %cond3A_547 = arith.constant 0 : i32
      %cond3A_548 = arith.cmpi ne, %convert_element_type3A_546, %cond3A_547 : i32
      scf.if %cond3A_548 {
        %add3A_744 = arith.constant 2 : i32
        %add3A_745 = arith.addi %mul3A_145, %add3A_744 : i32
        %mul3A_746 = arith.constant 5 : i32
        %mul3A_747 = arith.muli %add3A_745, %mul3A_746 : i32
        %add3A_748 = arith.constant 4 : i32
        %add3A_749 = arith.addi %mul3A_747, %add3A_748 : i32
        %mul3A_750 = arith.constant 40 : i32
        %mul3A_751 = arith.muli %add3A_749, %mul3A_750 : i32
        %dma_start3A_752 = arith.constant 0 : i32
        %dma_start3A_753 = arith.constant 4 : i32
        %dma_start3A_754 = arith.constant 0 : i32
        %dma_start3A_755 = arith.constant 0 : i32
        %dma_start3A_756 = tpu.memref_slice %arg7[%dma_start3A_752, %dma_start3A_753, %dma_start3A_754, %dma_start3A_755] : memref<2x5x40x128xf32, #tpu.memory_space<vmem>> -> memref<1x1x40x128xf32, #tpu.memory_space<vmem>>
        %dma_start3A_757 = tpu.memref_squeeze %dma_start3A_756 : memref<1x1x40x128xf32, #tpu.memory_space<vmem>> -> memref<40x128xf32, #tpu.memory_space<vmem>>
        %dma_start3A_758 = tpu.memref_slice %arg6[%mul3A_751] : memref<10000xi32, #tpu.memory_space<vmem>> -> memref<40xi32, #tpu.memory_space<vmem>>
        %dma_start3A_759 = arith.constant 0 : i32
        %dma_start3A_760 = arith.constant 0 : i32
        %dma_start3A_761 = tpu.memref_slice %arg5[%dma_start3A_759, %dma_start3A_760] : memref<40x128xf32, #tpu.memory_space<vmem_shared>> -> memref<40x128xf32, #tpu.memory_space<vmem_shared>>
        tpu.enqueue_indirect_dma source(%dma_start3A_761 : memref<40x128xf32, #tpu.memory_space<vmem_shared>>) target(%dma_start3A_757 : memref<40x128xf32, #tpu.memory_space<vmem>>) offsets(%dma_start3A_758 : memref<40xi32, #tpu.memory_space<vmem>>) semaphore(%arg12 : memref<!tpu.dma_semaphore, #tpu.memory_space<semaphore_mem>>)
      } else {
      }
      %dma_wait3A_549 = arith.constant 1 : i32
      %dma_wait3A_550 = arith.constant 0 : i32
      %dma_wait3A_551 = arith.constant 0 : i32
      %dma_wait3A_552 = arith.constant 0 : i32
      %dma_wait3A_553 = tpu.memref_slice %arg7[%dma_wait3A_549, %dma_wait3A_550, %dma_wait3A_551, %dma_wait3A_552] : memref<2x5x40x128xf32, #tpu.memory_space<vmem>> -> memref<1x1x40x128xf32, #tpu.memory_space<vmem>>
      %dma_wait3A_554 = tpu.memref_squeeze %dma_wait3A_553 : memref<1x1x40x128xf32, #tpu.memory_space<vmem>> -> memref<40x128xf32, #tpu.memory_space<vmem>>
      %dma_wait3A_555 = arith.constant 0 : i32
      %dma_wait3A_556 = arith.constant 0 : i32
      %dma_wait3A_557 = tpu.memref_slice %arg4[%dma_wait3A_555, %dma_wait3A_556] : memref<320000x128xf32, #tpu.memory_space<hbm>> -> memref<40x128xf32, #tpu.memory_space<hbm>>
      %dma_wait3A_558 = arith.constant 0 : i32
      %dma_wait3A_559 = arith.constant 0 : i32
      %dma_wait3A_560 = tpu.memref_slice %arg7[%dma_wait3A_549, %dma_wait3A_550, %dma_wait3A_558, %dma_wait3A_559] : memref<2x5x40x128xf32, #tpu.memory_space<vmem>> -> memref<1x1x40x128xf32, #tpu.memory_space<vmem>>
      %dma_wait3A_561 = tpu.memref_squeeze %dma_wait3A_560 : memref<1x1x40x128xf32, #tpu.memory_space<vmem>> -> memref<40x128xf32, #tpu.memory_space<vmem>>
      %dma_wait3A_562 = arith.constant 0 : i32
      %dma_wait3A_563 = arith.constant 0 : i32
      %dma_wait3A_564 = tpu.memref_slice %arg4[%dma_wait3A_562, %dma_wait3A_563] : memref<320000x128xf32, #tpu.memory_space<hbm>> -> memref<40x128xf32, #tpu.memory_space<hbm>>
      tpu.wait_dma2 semaphore(%arg13 : memref<!tpu.dma_semaphore, #tpu.memory_space<semaphore_mem>>) src(%dma_wait3A_564 : memref<40x128xf32, #tpu.memory_space<hbm>>) dst(%dma_wait3A_561 : memref<40x128xf32, #tpu.memory_space<vmem>>)
      %add3A_565 = arith.constant 1 : i32
      %add3A_566 = arith.addi %mul3A_145, %add3A_565 : i32
      %mul3A_567 = arith.constant 5 : i32
      %mul3A_568 = arith.muli %add3A_566, %mul3A_567 : i32
      %add3A_569 = arith.constant 0 : i32
      %add3A_570 = arith.addi %mul3A_568, %add3A_569 : i32
      %mul3A_571 = arith.constant 40 : i32
      %mul3A_572 = arith.muli %add3A_570, %mul3A_571 : i32
      %add3A_573 = arith.addi %mul3A_2, %mul3A_572 : i32
      %dma_start3A_574 = arith.constant 1 : i32
      %dma_start3A_575 = arith.constant 0 : i32
      %dma_start3A_576 = arith.constant 0 : i32
      %dma_start3A_577 = arith.constant 0 : i32
      %dma_start3A_578 = tpu.memref_slice %arg7[%dma_start3A_574, %dma_start3A_575, %dma_start3A_576, %dma_start3A_577] : memref<2x5x40x128xf32, #tpu.memory_space<vmem>> -> memref<1x1x40x128xf32, #tpu.memory_space<vmem>>
      %dma_start3A_579 = tpu.memref_squeeze %dma_start3A_578 : memref<1x1x40x128xf32, #tpu.memory_space<vmem>> -> memref<40x128xf32, #tpu.memory_space<vmem>>
      %dma_start3A_580 = arith.constant 0 : i32
      %dma_start3A_581 = tpu.memref_slice %arg4[%add3A_573, %dma_start3A_580] : memref<320000x128xf32, #tpu.memory_space<hbm>> -> memref<40x128xf32, #tpu.memory_space<hbm>>
      %dma_start3A_582 = arith.constant 0 : i32
      %dma_start3A_583 = tpu.memref_slice %arg4[%add3A_573, %dma_start3A_582] : memref<320000x128xf32, #tpu.memory_space<hbm>> -> memref<40x128xf32, #tpu.memory_space<hbm>>
      %dma_start3A_584 = arith.constant 0 : i32
      %dma_start3A_585 = arith.constant 0 : i32
      %dma_start3A_586 = tpu.memref_slice %arg7[%dma_start3A_574, %dma_start3A_575, %dma_start3A_584, %dma_start3A_585] : memref<2x5x40x128xf32, #tpu.memory_space<vmem>> -> memref<1x1x40x128xf32, #tpu.memory_space<vmem>>
      %dma_start3A_587 = tpu.memref_squeeze %dma_start3A_586 : memref<1x1x40x128xf32, #tpu.memory_space<vmem>> -> memref<40x128xf32, #tpu.memory_space<vmem>>
      tpu.enqueue_dma source(%dma_start3A_587 : memref<40x128xf32, #tpu.memory_space<vmem>>) target(%dma_start3A_583 : memref<40x128xf32, #tpu.memory_space<hbm>>) target_semaphore(%arg23 : memref<!tpu.dma_semaphore, #tpu.memory_space<semaphore_mem>>)
      %dma_wait3A_588 = arith.constant 1 : i32
      %dma_wait3A_589 = arith.constant 1 : i32
      %dma_wait3A_590 = arith.constant 0 : i32
      %dma_wait3A_591 = arith.constant 0 : i32
      %dma_wait3A_592 = tpu.memref_slice %arg7[%dma_wait3A_588, %dma_wait3A_589, %dma_wait3A_590, %dma_wait3A_591] : memref<2x5x40x128xf32, #tpu.memory_space<vmem>> -> memref<1x1x40x128xf32, #tpu.memory_space<vmem>>
      %dma_wait3A_593 = tpu.memref_squeeze %dma_wait3A_592 : memref<1x1x40x128xf32, #tpu.memory_space<vmem>> -> memref<40x128xf32, #tpu.memory_space<vmem>>
      %dma_wait3A_594 = arith.constant 0 : i32
      %dma_wait3A_595 = arith.constant 0 : i32
      %dma_wait3A_596 = tpu.memref_slice %arg4[%dma_wait3A_594, %dma_wait3A_595] : memref<320000x128xf32, #tpu.memory_space<hbm>> -> memref<40x128xf32, #tpu.memory_space<hbm>>
      %dma_wait3A_597 = arith.constant 0 : i32
      %dma_wait3A_598 = arith.constant 0 : i32
      %dma_wait3A_599 = tpu.memref_slice %arg7[%dma_wait3A_588, %dma_wait3A_589, %dma_wait3A_597, %dma_wait3A_598] : memref<2x5x40x128xf32, #tpu.memory_space<vmem>> -> memref<1x1x40x128xf32, #tpu.memory_space<vmem>>
      %dma_wait3A_600 = tpu.memref_squeeze %dma_wait3A_599 : memref<1x1x40x128xf32, #tpu.memory_space<vmem>> -> memref<40x128xf32, #tpu.memory_space<vmem>>
      %dma_wait3A_601 = arith.constant 0 : i32
      %dma_wait3A_602 = arith.constant 0 : i32
      %dma_wait3A_603 = tpu.memref_slice %arg4[%dma_wait3A_601, %dma_wait3A_602] : memref<320000x128xf32, #tpu.memory_space<hbm>> -> memref<40x128xf32, #tpu.memory_space<hbm>>
      tpu.wait_dma2 semaphore(%arg14 : memref<!tpu.dma_semaphore, #tpu.memory_space<semaphore_mem>>) src(%dma_wait3A_603 : memref<40x128xf32, #tpu.memory_space<hbm>>) dst(%dma_wait3A_600 : memref<40x128xf32, #tpu.memory_space<vmem>>)
      %add3A_604 = arith.constant 1 : i32
      %add3A_605 = arith.addi %mul3A_145, %add3A_604 : i32
      %mul3A_606 = arith.constant 5 : i32
      %mul3A_607 = arith.muli %add3A_605, %mul3A_606 : i32
      %add3A_608 = arith.constant 1 : i32
      %add3A_609 = arith.addi %mul3A_607, %add3A_608 : i32
      %mul3A_610 = arith.constant 40 : i32
      %mul3A_611 = arith.muli %add3A_609, %mul3A_610 : i32
      %add3A_612 = arith.addi %mul3A_2, %mul3A_611 : i32
      %dma_start3A_613 = arith.constant 1 : i32
      %dma_start3A_614 = arith.constant 1 : i32
      %dma_start3A_615 = arith.constant 0 : i32
      %dma_start3A_616 = arith.constant 0 : i32
      %dma_start3A_617 = tpu.memref_slice %arg7[%dma_start3A_613, %dma_start3A_614, %dma_start3A_615, %dma_start3A_616] : memref<2x5x40x128xf32, #tpu.memory_space<vmem>> -> memref<1x1x40x128xf32, #tpu.memory_space<vmem>>
      %dma_start3A_618 = tpu.memref_squeeze %dma_start3A_617 : memref<1x1x40x128xf32, #tpu.memory_space<vmem>> -> memref<40x128xf32, #tpu.memory_space<vmem>>
      %dma_start3A_619 = arith.constant 0 : i32
      %dma_start3A_620 = tpu.memref_slice %arg4[%add3A_612, %dma_start3A_619] : memref<320000x128xf32, #tpu.memory_space<hbm>> -> memref<40x128xf32, #tpu.memory_space<hbm>>
      %dma_start3A_621 = arith.constant 0 : i32
      %dma_start3A_622 = tpu.memref_slice %arg4[%add3A_612, %dma_start3A_621] : memref<320000x128xf32, #tpu.memory_space<hbm>> -> memref<40x128xf32, #tpu.memory_space<hbm>>
      %dma_start3A_623 = arith.constant 0 : i32
      %dma_start3A_624 = arith.constant 0 : i32
      %dma_start3A_625 = tpu.memref_slice %arg7[%dma_start3A_613, %dma_start3A_614, %dma_start3A_623, %dma_start3A_624] : memref<2x5x40x128xf32, #tpu.memory_space<vmem>> -> memref<1x1x40x128xf32, #tpu.memory_space<vmem>>
      %dma_start3A_626 = tpu.memref_squeeze %dma_start3A_625 : memref<1x1x40x128xf32, #tpu.memory_space<vmem>> -> memref<40x128xf32, #tpu.memory_space<vmem>>
      tpu.enqueue_dma source(%dma_start3A_626 : memref<40x128xf32, #tpu.memory_space<vmem>>) target(%dma_start3A_622 : memref<40x128xf32, #tpu.memory_space<hbm>>) target_semaphore(%arg24 : memref<!tpu.dma_semaphore, #tpu.memory_space<semaphore_mem>>)
      %dma_wait3A_627 = arith.constant 1 : i32
      %dma_wait3A_628 = arith.constant 2 : i32
      %dma_wait3A_629 = arith.constant 0 : i32
      %dma_wait3A_630 = arith.constant 0 : i32
      %dma_wait3A_631 = tpu.memref_slice %arg7[%dma_wait3A_627, %dma_wait3A_628, %dma_wait3A_629, %dma_wait3A_630] : memref<2x5x40x128xf32, #tpu.memory_space<vmem>> -> memref<1x1x40x128xf32, #tpu.memory_space<vmem>>
      %dma_wait3A_632 = tpu.memref_squeeze %dma_wait3A_631 : memref<1x1x40x128xf32, #tpu.memory_space<vmem>> -> memref<40x128xf32, #tpu.memory_space<vmem>>
      %dma_wait3A_633 = arith.constant 0 : i32
      %dma_wait3A_634 = arith.constant 0 : i32
      %dma_wait3A_635 = tpu.memref_slice %arg4[%dma_wait3A_633, %dma_wait3A_634] : memref<320000x128xf32, #tpu.memory_space<hbm>> -> memref<40x128xf32, #tpu.memory_space<hbm>>
      %dma_wait3A_636 = arith.constant 0 : i32
      %dma_wait3A_637 = arith.constant 0 : i32
      %dma_wait3A_638 = tpu.memref_slice %arg7[%dma_wait3A_627, %dma_wait3A_628, %dma_wait3A_636, %dma_wait3A_637] : memref<2x5x40x128xf32, #tpu.memory_space<vmem>> -> memref<1x1x40x128xf32, #tpu.memory_space<vmem>>
      %dma_wait3A_639 = tpu.memref_squeeze %dma_wait3A_638 : memref<1x1x40x128xf32, #tpu.memory_space<vmem>> -> memref<40x128xf32, #tpu.memory_space<vmem>>
      %dma_wait3A_640 = arith.constant 0 : i32
      %dma_wait3A_641 = arith.constant 0 : i32
      %dma_wait3A_642 = tpu.memref_slice %arg4[%dma_wait3A_640, %dma_wait3A_641] : memref<320000x128xf32, #tpu.memory_space<hbm>> -> memref<40x128xf32, #tpu.memory_space<hbm>>
      tpu.wait_dma2 semaphore(%arg15 : memref<!tpu.dma_semaphore, #tpu.memory_space<semaphore_mem>>) src(%dma_wait3A_642 : memref<40x128xf32, #tpu.memory_space<hbm>>) dst(%dma_wait3A_639 : memref<40x128xf32, #tpu.memory_space<vmem>>)
      %add3A_643 = arith.constant 1 : i32
      %add3A_644 = arith.addi %mul3A_145, %add3A_643 : i32
      %mul3A_645 = arith.constant 5 : i32
      %mul3A_646 = arith.muli %add3A_644, %mul3A_645 : i32
      %add3A_647 = arith.constant 2 : i32
      %add3A_648 = arith.addi %mul3A_646, %add3A_647 : i32
      %mul3A_649 = arith.constant 40 : i32
      %mul3A_650 = arith.muli %add3A_648, %mul3A_649 : i32
      %add3A_651 = arith.addi %mul3A_2, %mul3A_650 : i32
      %dma_start3A_652 = arith.constant 1 : i32
      %dma_start3A_653 = arith.constant 2 : i32
      %dma_start3A_654 = arith.constant 0 : i32
      %dma_start3A_655 = arith.constant 0 : i32
      %dma_start3A_656 = tpu.memref_slice %arg7[%dma_start3A_652, %dma_start3A_653, %dma_start3A_654, %dma_start3A_655] : memref<2x5x40x128xf32, #tpu.memory_space<vmem>> -> memref<1x1x40x128xf32, #tpu.memory_space<vmem>>
      %dma_start3A_657 = tpu.memref_squeeze %dma_start3A_656 : memref<1x1x40x128xf32, #tpu.memory_space<vmem>> -> memref<40x128xf32, #tpu.memory_space<vmem>>
      %dma_start3A_658 = arith.constant 0 : i32
      %dma_start3A_659 = tpu.memref_slice %arg4[%add3A_651, %dma_start3A_658] : memref<320000x128xf32, #tpu.memory_space<hbm>> -> memref<40x128xf32, #tpu.memory_space<hbm>>
      %dma_start3A_660 = arith.constant 0 : i32
      %dma_start3A_661 = tpu.memref_slice %arg4[%add3A_651, %dma_start3A_660] : memref<320000x128xf32, #tpu.memory_space<hbm>> -> memref<40x128xf32, #tpu.memory_space<hbm>>
      %dma_start3A_662 = arith.constant 0 : i32
      %dma_start3A_663 = arith.constant 0 : i32
      %dma_start3A_664 = tpu.memref_slice %arg7[%dma_start3A_652, %dma_start3A_653, %dma_start3A_662, %dma_start3A_663] : memref<2x5x40x128xf32, #tpu.memory_space<vmem>> -> memref<1x1x40x128xf32, #tpu.memory_space<vmem>>
      %dma_start3A_665 = tpu.memref_squeeze %dma_start3A_664 : memref<1x1x40x128xf32, #tpu.memory_space<vmem>> -> memref<40x128xf32, #tpu.memory_space<vmem>>
      tpu.enqueue_dma source(%dma_start3A_665 : memref<40x128xf32, #tpu.memory_space<vmem>>) target(%dma_start3A_661 : memref<40x128xf32, #tpu.memory_space<hbm>>) target_semaphore(%arg25 : memref<!tpu.dma_semaphore, #tpu.memory_space<semaphore_mem>>)
      %dma_wait3A_666 = arith.constant 1 : i32
      %dma_wait3A_667 = arith.constant 3 : i32
      %dma_wait3A_668 = arith.constant 0 : i32
      %dma_wait3A_669 = arith.constant 0 : i32
      %dma_wait3A_670 = tpu.memref_slice %arg7[%dma_wait3A_666, %dma_wait3A_667, %dma_wait3A_668, %dma_wait3A_669] : memref<2x5x40x128xf32, #tpu.memory_space<vmem>> -> memref<1x1x40x128xf32, #tpu.memory_space<vmem>>
      %dma_wait3A_671 = tpu.memref_squeeze %dma_wait3A_670 : memref<1x1x40x128xf32, #tpu.memory_space<vmem>> -> memref<40x128xf32, #tpu.memory_space<vmem>>
      %dma_wait3A_672 = arith.constant 0 : i32
      %dma_wait3A_673 = arith.constant 0 : i32
      %dma_wait3A_674 = tpu.memref_slice %arg4[%dma_wait3A_672, %dma_wait3A_673] : memref<320000x128xf32, #tpu.memory_space<hbm>> -> memref<40x128xf32, #tpu.memory_space<hbm>>
      %dma_wait3A_675 = arith.constant 0 : i32
      %dma_wait3A_676 = arith.constant 0 : i32
      %dma_wait3A_677 = tpu.memref_slice %arg7[%dma_wait3A_666, %dma_wait3A_667, %dma_wait3A_675, %dma_wait3A_676] : memref<2x5x40x128xf32, #tpu.memory_space<vmem>> -> memref<1x1x40x128xf32, #tpu.memory_space<vmem>>
      %dma_wait3A_678 = tpu.memref_squeeze %dma_wait3A_677 : memref<1x1x40x128xf32, #tpu.memory_space<vmem>> -> memref<40x128xf32, #tpu.memory_space<vmem>>
      %dma_wait3A_679 = arith.constant 0 : i32
      %dma_wait3A_680 = arith.constant 0 : i32
      %dma_wait3A_681 = tpu.memref_slice %arg4[%dma_wait3A_679, %dma_wait3A_680] : memref<320000x128xf32, #tpu.memory_space<hbm>> -> memref<40x128xf32, #tpu.memory_space<hbm>>
      tpu.wait_dma2 semaphore(%arg16 : memref<!tpu.dma_semaphore, #tpu.memory_space<semaphore_mem>>) src(%dma_wait3A_681 : memref<40x128xf32, #tpu.memory_space<hbm>>) dst(%dma_wait3A_678 : memref<40x128xf32, #tpu.memory_space<vmem>>)
      %add3A_682 = arith.constant 1 : i32
      %add3A_683 = arith.addi %mul3A_145, %add3A_682 : i32
      %mul3A_684 = arith.constant 5 : i32
      %mul3A_685 = arith.muli %add3A_683, %mul3A_684 : i32
      %add3A_686 = arith.constant 3 : i32
      %add3A_687 = arith.addi %mul3A_685, %add3A_686 : i32
      %mul3A_688 = arith.constant 40 : i32
      %mul3A_689 = arith.muli %add3A_687, %mul3A_688 : i32
      %add3A_690 = arith.addi %mul3A_2, %mul3A_689 : i32
      %dma_start3A_691 = arith.constant 1 : i32
      %dma_start3A_692 = arith.constant 3 : i32
      %dma_start3A_693 = arith.constant 0 : i32
      %dma_start3A_694 = arith.constant 0 : i32
      %dma_start3A_695 = tpu.memref_slice %arg7[%dma_start3A_691, %dma_start3A_692, %dma_start3A_693, %dma_start3A_694] : memref<2x5x40x128xf32, #tpu.memory_space<vmem>> -> memref<1x1x40x128xf32, #tpu.memory_space<vmem>>
      %dma_start3A_696 = tpu.memref_squeeze %dma_start3A_695 : memref<1x1x40x128xf32, #tpu.memory_space<vmem>> -> memref<40x128xf32, #tpu.memory_space<vmem>>
      %dma_start3A_697 = arith.constant 0 : i32
      %dma_start3A_698 = tpu.memref_slice %arg4[%add3A_690, %dma_start3A_697] : memref<320000x128xf32, #tpu.memory_space<hbm>> -> memref<40x128xf32, #tpu.memory_space<hbm>>
      %dma_start3A_699 = arith.constant 0 : i32
      %dma_start3A_700 = tpu.memref_slice %arg4[%add3A_690, %dma_start3A_699] : memref<320000x128xf32, #tpu.memory_space<hbm>> -> memref<40x128xf32, #tpu.memory_space<hbm>>
      %dma_start3A_701 = arith.constant 0 : i32
      %dma_start3A_702 = arith.constant 0 : i32
      %dma_start3A_703 = tpu.memref_slice %arg7[%dma_start3A_691, %dma_start3A_692, %dma_start3A_701, %dma_start3A_702] : memref<2x5x40x128xf32, #tpu.memory_space<vmem>> -> memref<1x1x40x128xf32, #tpu.memory_space<vmem>>
      %dma_start3A_704 = tpu.memref_squeeze %dma_start3A_703 : memref<1x1x40x128xf32, #tpu.memory_space<vmem>> -> memref<40x128xf32, #tpu.memory_space<vmem>>
      tpu.enqueue_dma source(%dma_start3A_704 : memref<40x128xf32, #tpu.memory_space<vmem>>) target(%dma_start3A_700 : memref<40x128xf32, #tpu.memory_space<hbm>>) target_semaphore(%arg26 : memref<!tpu.dma_semaphore, #tpu.memory_space<semaphore_mem>>)
      %dma_wait3A_705 = arith.constant 1 : i32
      %dma_wait3A_706 = arith.constant 4 : i32
      %dma_wait3A_707 = arith.constant 0 : i32
      %dma_wait3A_708 = arith.constant 0 : i32
      %dma_wait3A_709 = tpu.memref_slice %arg7[%dma_wait3A_705, %dma_wait3A_706, %dma_wait3A_707, %dma_wait3A_708] : memref<2x5x40x128xf32, #tpu.memory_space<vmem>> -> memref<1x1x40x128xf32, #tpu.memory_space<vmem>>
      %dma_wait3A_710 = tpu.memref_squeeze %dma_wait3A_709 : memref<1x1x40x128xf32, #tpu.memory_space<vmem>> -> memref<40x128xf32, #tpu.memory_space<vmem>>
      %dma_wait3A_711 = arith.constant 0 : i32
      %dma_wait3A_712 = arith.constant 0 : i32
      %dma_wait3A_713 = tpu.memref_slice %arg4[%dma_wait3A_711, %dma_wait3A_712] : memref<320000x128xf32, #tpu.memory_space<hbm>> -> memref<40x128xf32, #tpu.memory_space<hbm>>
      %dma_wait3A_714 = arith.constant 0 : i32
      %dma_wait3A_715 = arith.constant 0 : i32
      %dma_wait3A_716 = tpu.memref_slice %arg7[%dma_wait3A_705, %dma_wait3A_706, %dma_wait3A_714, %dma_wait3A_715] : memref<2x5x40x128xf32, #tpu.memory_space<vmem>> -> memref<1x1x40x128xf32, #tpu.memory_space<vmem>>
      %dma_wait3A_717 = tpu.memref_squeeze %dma_wait3A_716 : memref<1x1x40x128xf32, #tpu.memory_space<vmem>> -> memref<40x128xf32, #tpu.memory_space<vmem>>
      %dma_wait3A_718 = arith.constant 0 : i32
      %dma_wait3A_719 = arith.constant 0 : i32
      %dma_wait3A_720 = tpu.memref_slice %arg4[%dma_wait3A_718, %dma_wait3A_719] : memref<320000x128xf32, #tpu.memory_space<hbm>> -> memref<40x128xf32, #tpu.memory_space<hbm>>
      tpu.wait_dma2 semaphore(%arg17 : memref<!tpu.dma_semaphore, #tpu.memory_space<semaphore_mem>>) src(%dma_wait3A_720 : memref<40x128xf32, #tpu.memory_space<hbm>>) dst(%dma_wait3A_717 : memref<40x128xf32, #tpu.memory_space<vmem>>)
      %add3A_721 = arith.constant 1 : i32
      %add3A_722 = arith.addi %mul3A_145, %add3A_721 : i32
      %mul3A_723 = arith.constant 5 : i32
      %mul3A_724 = arith.muli %add3A_722, %mul3A_723 : i32
      %add3A_725 = arith.constant 4 : i32
      %add3A_726 = arith.addi %mul3A_724, %add3A_725 : i32
      %mul3A_727 = arith.constant 40 : i32
      %mul3A_728 = arith.muli %add3A_726, %mul3A_727 : i32
      %add3A_729 = arith.addi %mul3A_2, %mul3A_728 : i32
      %dma_start3A_730 = arith.constant 1 : i32
      %dma_start3A_731 = arith.constant 4 : i32
      %dma_start3A_732 = arith.constant 0 : i32
      %dma_start3A_733 = arith.constant 0 : i32
      %dma_start3A_734 = tpu.memref_slice %arg7[%dma_start3A_730, %dma_start3A_731, %dma_start3A_732, %dma_start3A_733] : memref<2x5x40x128xf32, #tpu.memory_space<vmem>> -> memref<1x1x40x128xf32, #tpu.memory_space<vmem>>
      %dma_start3A_735 = tpu.memref_squeeze %dma_start3A_734 : memref<1x1x40x128xf32, #tpu.memory_space<vmem>> -> memref<40x128xf32, #tpu.memory_space<vmem>>
      %dma_start3A_736 = arith.constant 0 : i32
      %dma_start3A_737 = tpu.memref_slice %arg4[%add3A_729, %dma_start3A_736] : memref<320000x128xf32, #tpu.memory_space<hbm>> -> memref<40x128xf32, #tpu.memory_space<hbm>>
      %dma_start3A_738 = arith.constant 0 : i32
      %dma_start3A_739 = tpu.memref_slice %arg4[%add3A_729, %dma_start3A_738] : memref<320000x128xf32, #tpu.memory_space<hbm>> -> memref<40x128xf32, #tpu.memory_space<hbm>>
      %dma_start3A_740 = arith.constant 0 : i32
      %dma_start3A_741 = arith.constant 0 : i32
      %dma_start3A_742 = tpu.memref_slice %arg7[%dma_start3A_730, %dma_start3A_731, %dma_start3A_740, %dma_start3A_741] : memref<2x5x40x128xf32, #tpu.memory_space<vmem>> -> memref<1x1x40x128xf32, #tpu.memory_space<vmem>>
      %dma_start3A_743 = tpu.memref_squeeze %dma_start3A_742 : memref<1x1x40x128xf32, #tpu.memory_space<vmem>> -> memref<40x128xf32, #tpu.memory_space<vmem>>
      tpu.enqueue_dma source(%dma_start3A_743 : memref<40x128xf32, #tpu.memory_space<vmem>>) target(%dma_start3A_739 : memref<40x128xf32, #tpu.memory_space<hbm>>) target_semaphore(%arg27 : memref<!tpu.dma_semaphore, #tpu.memory_space<semaphore_mem>>)
    }
    %scan3A_63 = arith.constant 25 : i32
    %dma_wait3A = arith.constant 1 : i32
    %dma_wait3A_64 = arith.constant 0 : i32
    %dma_wait3A_65 = arith.constant 0 : i32
    %dma_wait3A_66 = arith.constant 0 : i32
    %dma_wait3A_67 = tpu.memref_slice %arg7[%dma_wait3A, %dma_wait3A_64, %dma_wait3A_65, %dma_wait3A_66] : memref<2x5x40x128xf32, #tpu.memory_space<vmem>> -> memref<1x1x40x128xf32, #tpu.memory_space<vmem>>
    %dma_wait3A_68 = tpu.memref_squeeze %dma_wait3A_67 : memref<1x1x40x128xf32, #tpu.memory_space<vmem>> -> memref<40x128xf32, #tpu.memory_space<vmem>>
    %dma_wait3A_69 = arith.constant 0 : i32
    %dma_wait3A_70 = arith.constant 0 : i32
    %dma_wait3A_71 = tpu.memref_slice %arg4[%dma_wait3A_69, %dma_wait3A_70] : memref<320000x128xf32, #tpu.memory_space<hbm>> -> memref<40x128xf32, #tpu.memory_space<hbm>>
    %dma_wait3A_72 = arith.constant 0 : i32
    %dma_wait3A_73 = arith.constant 0 : i32
    %dma_wait3A_74 = tpu.memref_slice %arg7[%dma_wait3A, %dma_wait3A_64, %dma_wait3A_72, %dma_wait3A_73] : memref<2x5x40x128xf32, #tpu.memory_space<vmem>> -> memref<1x1x40x128xf32, #tpu.memory_space<vmem>>
    %dma_wait3A_75 = tpu.memref_squeeze %dma_wait3A_74 : memref<1x1x40x128xf32, #tpu.memory_space<vmem>> -> memref<40x128xf32, #tpu.memory_space<vmem>>
    %dma_wait3A_76 = arith.constant 0 : i32
    %dma_wait3A_77 = arith.constant 0 : i32
    %dma_wait3A_78 = tpu.memref_slice %arg4[%dma_wait3A_76, %dma_wait3A_77] : memref<320000x128xf32, #tpu.memory_space<hbm>> -> memref<40x128xf32, #tpu.memory_space<hbm>>
    tpu.wait_dma2 semaphore(%arg23 : memref<!tpu.dma_semaphore, #tpu.memory_space<semaphore_mem>>) src(%dma_wait3A_78 : memref<40x128xf32, #tpu.memory_space<hbm>>) dst(%dma_wait3A_75 : memref<40x128xf32, #tpu.memory_space<vmem>>)
    %dma_wait3A_79 = arith.constant 1 : i32
    %dma_wait3A_80 = arith.constant 1 : i32
    %dma_wait3A_81 = arith.constant 0 : i32
    %dma_wait3A_82 = arith.constant 0 : i32
    %dma_wait3A_83 = tpu.memref_slice %arg7[%dma_wait3A_79, %dma_wait3A_80, %dma_wait3A_81, %dma_wait3A_82] : memref<2x5x40x128xf32, #tpu.memory_space<vmem>> -> memref<1x1x40x128xf32, #tpu.memory_space<vmem>>
    %dma_wait3A_84 = tpu.memref_squeeze %dma_wait3A_83 : memref<1x1x40x128xf32, #tpu.memory_space<vmem>> -> memref<40x128xf32, #tpu.memory_space<vmem>>
    %dma_wait3A_85 = arith.constant 0 : i32
    %dma_wait3A_86 = arith.constant 0 : i32
    %dma_wait3A_87 = tpu.memref_slice %arg4[%dma_wait3A_85, %dma_wait3A_86] : memref<320000x128xf32, #tpu.memory_space<hbm>> -> memref<40x128xf32, #tpu.memory_space<hbm>>
    %dma_wait3A_88 = arith.constant 0 : i32
    %dma_wait3A_89 = arith.constant 0 : i32
    %dma_wait3A_90 = tpu.memref_slice %arg7[%dma_wait3A_79, %dma_wait3A_80, %dma_wait3A_88, %dma_wait3A_89] : memref<2x5x40x128xf32, #tpu.memory_space<vmem>> -> memref<1x1x40x128xf32, #tpu.memory_space<vmem>>
    %dma_wait3A_91 = tpu.memref_squeeze %dma_wait3A_90 : memref<1x1x40x128xf32, #tpu.memory_space<vmem>> -> memref<40x128xf32, #tpu.memory_space<vmem>>
    %dma_wait3A_92 = arith.constant 0 : i32
    %dma_wait3A_93 = arith.constant 0 : i32
    %dma_wait3A_94 = tpu.memref_slice %arg4[%dma_wait3A_92, %dma_wait3A_93] : memref<320000x128xf32, #tpu.memory_space<hbm>> -> memref<40x128xf32, #tpu.memory_space<hbm>>
    tpu.wait_dma2 semaphore(%arg24 : memref<!tpu.dma_semaphore, #tpu.memory_space<semaphore_mem>>) src(%dma_wait3A_94 : memref<40x128xf32, #tpu.memory_space<hbm>>) dst(%dma_wait3A_91 : memref<40x128xf32, #tpu.memory_space<vmem>>)
    %dma_wait3A_95 = arith.constant 1 : i32
    %dma_wait3A_96 = arith.constant 2 : i32
    %dma_wait3A_97 = arith.constant 0 : i32
    %dma_wait3A_98 = arith.constant 0 : i32
    %dma_wait3A_99 = tpu.memref_slice %arg7[%dma_wait3A_95, %dma_wait3A_96, %dma_wait3A_97, %dma_wait3A_98] : memref<2x5x40x128xf32, #tpu.memory_space<vmem>> -> memref<1x1x40x128xf32, #tpu.memory_space<vmem>>
    %dma_wait3A_100 = tpu.memref_squeeze %dma_wait3A_99 : memref<1x1x40x128xf32, #tpu.memory_space<vmem>> -> memref<40x128xf32, #tpu.memory_space<vmem>>
    %dma_wait3A_101 = arith.constant 0 : i32
    %dma_wait3A_102 = arith.constant 0 : i32
    %dma_wait3A_103 = tpu.memref_slice %arg4[%dma_wait3A_101, %dma_wait3A_102] : memref<320000x128xf32, #tpu.memory_space<hbm>> -> memref<40x128xf32, #tpu.memory_space<hbm>>
    %dma_wait3A_104 = arith.constant 0 : i32
    %dma_wait3A_105 = arith.constant 0 : i32
    %dma_wait3A_106 = tpu.memref_slice %arg7[%dma_wait3A_95, %dma_wait3A_96, %dma_wait3A_104, %dma_wait3A_105] : memref<2x5x40x128xf32, #tpu.memory_space<vmem>> -> memref<1x1x40x128xf32, #tpu.memory_space<vmem>>
    %dma_wait3A_107 = tpu.memref_squeeze %dma_wait3A_106 : memref<1x1x40x128xf32, #tpu.memory_space<vmem>> -> memref<40x128xf32, #tpu.memory_space<vmem>>
    %dma_wait3A_108 = arith.constant 0 : i32
    %dma_wait3A_109 = arith.constant 0 : i32
    %dma_wait3A_110 = tpu.memref_slice %arg4[%dma_wait3A_108, %dma_wait3A_109] : memref<320000x128xf32, #tpu.memory_space<hbm>> -> memref<40x128xf32, #tpu.memory_space<hbm>>
    tpu.wait_dma2 semaphore(%arg25 : memref<!tpu.dma_semaphore, #tpu.memory_space<semaphore_mem>>) src(%dma_wait3A_110 : memref<40x128xf32, #tpu.memory_space<hbm>>) dst(%dma_wait3A_107 : memref<40x128xf32, #tpu.memory_space<vmem>>)
    %dma_wait3A_111 = arith.constant 1 : i32
    %dma_wait3A_112 = arith.constant 3 : i32
    %dma_wait3A_113 = arith.constant 0 : i32
    %dma_wait3A_114 = arith.constant 0 : i32
    %dma_wait3A_115 = tpu.memref_slice %arg7[%dma_wait3A_111, %dma_wait3A_112, %dma_wait3A_113, %dma_wait3A_114] : memref<2x5x40x128xf32, #tpu.memory_space<vmem>> -> memref<1x1x40x128xf32, #tpu.memory_space<vmem>>
    %dma_wait3A_116 = tpu.memref_squeeze %dma_wait3A_115 : memref<1x1x40x128xf32, #tpu.memory_space<vmem>> -> memref<40x128xf32, #tpu.memory_space<vmem>>
    %dma_wait3A_117 = arith.constant 0 : i32
    %dma_wait3A_118 = arith.constant 0 : i32
    %dma_wait3A_119 = tpu.memref_slice %arg4[%dma_wait3A_117, %dma_wait3A_118] : memref<320000x128xf32, #tpu.memory_space<hbm>> -> memref<40x128xf32, #tpu.memory_space<hbm>>
    %dma_wait3A_120 = arith.constant 0 : i32
    %dma_wait3A_121 = arith.constant 0 : i32
    %dma_wait3A_122 = tpu.memref_slice %arg7[%dma_wait3A_111, %dma_wait3A_112, %dma_wait3A_120, %dma_wait3A_121] : memref<2x5x40x128xf32, #tpu.memory_space<vmem>> -> memref<1x1x40x128xf32, #tpu.memory_space<vmem>>
    %dma_wait3A_123 = tpu.memref_squeeze %dma_wait3A_122 : memref<1x1x40x128xf32, #tpu.memory_space<vmem>> -> memref<40x128xf32, #tpu.memory_space<vmem>>
    %dma_wait3A_124 = arith.constant 0 : i32
    %dma_wait3A_125 = arith.constant 0 : i32
    %dma_wait3A_126 = tpu.memref_slice %arg4[%dma_wait3A_124, %dma_wait3A_125] : memref<320000x128xf32, #tpu.memory_space<hbm>> -> memref<40x128xf32, #tpu.memory_space<hbm>>
    tpu.wait_dma2 semaphore(%arg26 : memref<!tpu.dma_semaphore, #tpu.memory_space<semaphore_mem>>) src(%dma_wait3A_126 : memref<40x128xf32, #tpu.memory_space<hbm>>) dst(%dma_wait3A_123 : memref<40x128xf32, #tpu.memory_space<vmem>>)
    %dma_wait3A_127 = arith.constant 1 : i32
    %dma_wait3A_128 = arith.constant 4 : i32
    %dma_wait3A_129 = arith.constant 0 : i32
    %dma_wait3A_130 = arith.constant 0 : i32
    %dma_wait3A_131 = tpu.memref_slice %arg7[%dma_wait3A_127, %dma_wait3A_128, %dma_wait3A_129, %dma_wait3A_130] : memref<2x5x40x128xf32, #tpu.memory_space<vmem>> -> memref<1x1x40x128xf32, #tpu.memory_space<vmem>>
    %dma_wait3A_132 = tpu.memref_squeeze %dma_wait3A_131 : memref<1x1x40x128xf32, #tpu.memory_space<vmem>> -> memref<40x128xf32, #tpu.memory_space<vmem>>
    %dma_wait3A_133 = arith.constant 0 : i32
    %dma_wait3A_134 = arith.constant 0 : i32
    %dma_wait3A_135 = tpu.memref_slice %arg4[%dma_wait3A_133, %dma_wait3A_134] : memref<320000x128xf32, #tpu.memory_space<hbm>> -> memref<40x128xf32, #tpu.memory_space<hbm>>
    %dma_wait3A_136 = arith.constant 0 : i32
    %dma_wait3A_137 = arith.constant 0 : i32
    %dma_wait3A_138 = tpu.memref_slice %arg7[%dma_wait3A_127, %dma_wait3A_128, %dma_wait3A_136, %dma_wait3A_137] : memref<2x5x40x128xf32, #tpu.memory_space<vmem>> -> memref<1x1x40x128xf32, #tpu.memory_space<vmem>>
    %dma_wait3A_139 = tpu.memref_squeeze %dma_wait3A_138 : memref<1x1x40x128xf32, #tpu.memory_space<vmem>> -> memref<40x128xf32, #tpu.memory_space<vmem>>
    %dma_wait3A_140 = arith.constant 0 : i32
    %dma_wait3A_141 = arith.constant 0 : i32
    %dma_wait3A_142 = tpu.memref_slice %arg4[%dma_wait3A_140, %dma_wait3A_141] : memref<320000x128xf32, #tpu.memory_space<hbm>> -> memref<40x128xf32, #tpu.memory_space<hbm>>
    tpu.wait_dma2 semaphore(%arg27 : memref<!tpu.dma_semaphore, #tpu.memory_space<semaphore_mem>>) src(%dma_wait3A_142 : memref<40x128xf32, #tpu.memory_space<hbm>>) dst(%dma_wait3A_139 : memref<40x128xf32, #tpu.memory_space<vmem>>)
    return
  }
}

module attributes {stable_mosaic.version = 14 : i64} {
  func.func @_project_body(%arg0: memref<40x128xf32, #tpu.memory_space<vmem>>, %arg1: memref<128x128xf32, #tpu.memory_space<vmem>>, %arg2: memref<1x128xf32, #tpu.memory_space<vmem>>, %arg3: memref<40x128xf32, #tpu.memory_space<vmem>>) attributes {dimension_semantics = [], scalar_prefetch = 0 : i64, scratch_operands = 0 : i64, tpu.core_type = #tpu.core_type<tc>} {
    %get3A = arith.constant 0 : index
    %get3A_0 = arith.constant 0 : index
    %get3A_1 = vector.load %arg0[%get3A, %get3A_0] : memref<40x128xf32, #tpu.memory_space<vmem>>, vector<40x128xf32>
    %get3A_2 = arith.constant 0 : index
    %get3A_3 = arith.constant 0 : index
    %get3A_4 = vector.load %arg1[%get3A_2, %get3A_3] : memref<128x128xf32, #tpu.memory_space<vmem>>, vector<128x128xf32>
    %dot_general3A = arith.constant dense<0.000000e+00> : vector<40x128xf32>
    %dot_general3A_5 = tpu.matmul %get3A_1, %get3A_4, %dot_general3A {dimension_numbers = #tpu.dot_dimension_numbers<[1], [1], [0], [0], [0, 0, 1, 0], [], []>, transpose_lhs_hint = false} : vector<40x128xf32>, vector<128x128xf32>, vector<40x128xf32> -> vector<40x128xf32>
    %get3A_6 = arith.constant 0 : index
    %get3A_7 = arith.constant 0 : index
    %get3A_8 = vector.load %arg2[%get3A_6, %get3A_7] : memref<1x128xf32, #tpu.memory_space<vmem>>, vector<1x128xf32>
    %add3A = vector.broadcast %get3A_8 : vector<1x128xf32> to vector<40x128xf32>
    %add3A_9 = arith.addf %dot_general3A_5, %add3A : vector<40x128xf32>
    %swap3A = arith.constant 0 : index
    %swap3A_10 = arith.constant 0 : index
    %swap3A_11 = vector.load %arg3[%swap3A, %swap3A_10] : memref<40x128xf32, #tpu.memory_space<vmem>>, vector<40x128xf32>
    tpu.vector_store %arg3[%swap3A, %swap3A_10], %add3A_9 {strides = array<i32>} : memref<40x128xf32, #tpu.memory_space<vmem>>, vector<40x128xf32>,
    return
  }
}

</mosaic_0001>

<sc_bundles>
// kernel: kernel.4.cloned.1.call-start
scs
__scs_entry_jumppad:
0x0: {  	(pc) =	sbr.rel $0x88, $3  }
0x1: {  	(tag) =	ssettag $0x0;
	lr =	simm.s32 $0x1  }
0x2: {  	[smem:$0x3F9D] =	sst lr;
	_ =	strace $0xD0000000  }
0x3: {  	_ = 	snop  }
0x4: {  	_ = 	snop  }
0x5: {  	_ = 	snop  }
0x6: {  	_ = 	snop  }
0x7: {  	_ = 	snop  }
__scs_overlays_trampoline_lowered:
0x8: {  	[smem:$0x3FAC] =	sst s0  }
0x9: {  	[smem:$0x3FAD] =	sst s1  }
0xa: {  	[smem:$0x3FAE] =	sst s2  }
0xb: {  	[smem:$0x3FAF] =	sst s3  }
0xc: {  	[smem:$0x3FB0] =	sst s4  }
0xd: {  	[smem:$0x3FB1] =	sst s5  }
0xe: {  	[smem:$0x3FB2] =	sst s6  }
0xf: {  	[smem:$0x3FB3] =	sst s7  }
0x10: {  	[smem:$0x3FB4] =	sst s8  }
0x11: {  	[smem:$0x3FB5] =	sst s9;
	s0 =	simm.s32 @!p0 $0x0  }
0x12: {  	s1 =	sld [smem:$0x3F9B];
	s0 =	simm.s32 @p0 $0x1  }
0x13: {  	[smem:$0x3FB6] =	sst s0;
	s0 =	simm.s32 @!p1 $0x0  }
0x14: {  	s2 =	sld [smem:$0x3F9A];
	s0 =	simm.s32 @p1 $0x1  }
0x15: {  	[smem:$0x3FB7] =	sst s0;
	s0 =	simm.s32 @!p2 $0x0  }
0x16: {  	s3 =	sld [smem:$0x3FDB];
	s0 =	simm.s32 @p2 $0x1  }
0x17: {  	s4 =	simm.s32 $0x1BF5;
	[smem:$0x3FB9] =	sst s0  }
0x18: {  	s0 =	sld [smem:$0x3F9C];
	_ =	swait.ge [sflag:s4], $0x0  }
0x19: {  	s7 =	sld [smem:$0x3F9D]  }
0x1a: {  	s8 =	sadd.s32 $0xFFFFE003, lr  }
0x1b: {  	s9 =	sadd.s32 $0xFFFFFEF7, lr;
	s5 =	simm.s32 $0xFFFFFFFF;
	p2 =	slt.u32 s8, $0xFFFFF086  }
0x1c: {  	p1 =	slt.u32 s9, $0xF7A;
	s5 =	simm.s32 @!p2 $0x0  }
0x1d: {  	s5 =	simm.s32 @p1 $0x1;
	p0 =	seq.s32 s7, s2  }
0x1e: {  	s7 =	smul.u32 @!p0 $0xF7A, s2;
	p2 =	seq.s32 @!p0 s5, $0x0  }
0x1f: {  	s9 =	smul.u32 $0xF7A, s1;
	s8 =	simm.s32 @!p0 $0x1BF5;
	p2 =	por !p2, p0  }
0x20: {  	[sflag:s8] =	ssyncset.s32 @!p0 $0xFFFFF086;
	s6 =	sadd.s32 @!p0 s3, s7;
	s7 =	simm.s32 @!p0 $0x108  }
0x21: {  	s3 =	sadd.s32 s3, s9;
	s6 =	sadd.s32 @!p0 $0x88, s6;
	s7 =	simm.s32 @p2 $0x1082  }
0x22: {  	[simem:s7], [sflag:s8] =	dma.local @!p0 [hbm:s6], $0xF7A  }
0x23: {  	s9 =	sor.u32 $0xD0000000, s2;
	s6 =	simm.s32 $0x108;
	_ =	swait.ge @!p0 [sflag:s8], $0x0  }
0x24: {  	s3 =	sadd.s32 $0x88, s3;
	s6 =	simm.s32 @!p1 $0x1082;
	[sflag:s4] =	ssyncset.s32 $0xFFFFF086  }
0x25: {  	[simem:s6], [sflag:s4] =	dma.local [hbm:s3], $0xF7A  }
0x26: {  	[smem:$0x3F9D] =	sst s1;
	(tag) =	ssettag s2;
	_ =	strace s9  }
0x27: {  	s1 =	sld [smem:$0x3FAD]  }
0x28: {  	s2 =	sld [smem:$0x3FAE]  }
0x29: {  	s4 =	sld [smem:$0x3FB0]  }
0x2a: {  	p0 =	seq.s32 s5, $0x0;
	s5 =	sld [smem:$0x3FB1]  }
0x2b: {  	s6 =	sld [smem:$0x3FB2]  }
0x2c: {  	s7 =	sld [smem:$0x3FB3]  }
0x2d: {  	s3 =	simm.s32 $0x108;
	s8 =	sld [smem:$0x3FB4]  }
0x2e: {  	s3 =	simm.s32 @!p0 $0x1082;
	s9 =	sld [smem:$0x3FB5]  }
0x2f: {  	lr =	sadd.s32 s0, s3;
	s0 =	sld [smem:$0x3FAC]  }
0x30: {  	s3 =	sld [smem:$0x3FAF]  }
0x31: {  	[smem:$0x3FB8] =	sst s10  }
0x32: {  	s10 =	sld [smem:$0x3FB6];
	_ =	sdelay $0x3  }
0x33: {  	p0 =	seq.s32 s10, $0x1;
	s10 =	sld [smem:$0x3FB8];
	_ =	sdelay $0x3  }
0x34: {  	[smem:$0x3FB8] =	sst s10  }
0x35: {  	s10 =	sld [smem:$0x3FB7];
	_ =	sdelay $0x3  }
0x36: {  	p1 =	seq.s32 s10, $0x1;
	s10 =	sld [smem:$0x3FB8];
	_ =	sdelay $0x3  }
0x37: {  	[smem:$0x3FB8] =	sst s10  }
0x38: {  	s10 =	sld [smem:$0x3FB9]  }
0x39: {  	_ = 	snop;
	(pc) =	sbr.ind lr, $3  }
0x3a: {  	_ = 	snop  }
0x3b: {  	_ = 	snop  }
0x3c: {  	p2 =	seq.s32 s10, $0x1;
	s10 =	sld [smem:$0x3FB8]  }
0x3d: {  	_ =	shalt  }
0x3e: {  	_ =	shalt  }
0x3f: {  	_ =	shalt  }
0x40: {  	_ =	shalt  }
0x41: {  	_ =	shalt  }
0x42: {  	_ =	shalt  }
0x43: {  	_ =	shalt  }
0x44: {  	_ =	shalt  }
0x45: {  	_ =	shalt  }
0x46: {  	_ =	shalt  }
0x47: {  	_ =	shalt  }
0x48: {  	_ =	shalt  }
0x49: {  	_ =	shalt  }
0x4a: {  	_ =	shalt  }
0x4b: {  	_ =	shalt  }
0x4c: {  	_ =	shalt  }
0x4d: {  	_ =	shalt  }
0x4e: {  	_ =	shalt  }
0x4f: {  	_ =	shalt  }
0x50: {  	_ =	shalt  }
0x51: {  	_ =	shalt  }
0x52: {  	_ =	shalt  }
0x53: {  	_ =	shalt  }
0x54: {  	_ =	shalt  }
0x55: {  	_ =	shalt  }
0x56: {  	_ =	shalt  }
0x57: {  	_ =	shalt  }
0x58: {  	_ =	shalt  }
0x59: {  	_ =	shalt  }
0x5a: {  	_ =	shalt  }
0x5b: {  	_ =	shalt  }
0x5c: {  	_ =	shalt  }
0x5d: {  	_ =	shalt  }
0x5e: {  	_ =	shalt  }
0x5f: {  	_ =	shalt  }
0x60: {  	_ =	shalt  }
0x61: {  	_ =	shalt  }
0x62: {  	_ =	shalt  }
0x63: {  	_ =	shalt  }
0x64: {  	_ =	shalt  }
0x65: {  	_ =	shalt  }
0x66: {  	_ =	shalt  }
0x67: {  	_ =	shalt  }
0x68: {  	_ =	shalt  }
0x69: {  	_ =	shalt  }
0x6a: {  	_ =	shalt  }
0x6b: {  	_ =	shalt  }
0x6c: {  	_ =	shalt  }
0x6d: {  	_ =	shalt  }
0x6e: {  	_ =	shalt  }
0x6f: {  	_ =	shalt  }
0x70: {  	_ =	shalt  }
0x71: {  	_ =	shalt  }
0x72: {  	_ =	shalt  }
0x73: {  	_ =	shalt  }
0x74: {  	_ =	shalt  }
0x75: {  	_ =	shalt  }
0x76: {  	_ =	shalt  }
0x77: {  	_ =	shalt  }
0x78: {  	_ =	shalt  }
0x79: {  	_ =	shalt  }
0x7a: {  	_ =	shalt  }
0x7b: {  	_ =	shalt  }
0x7c: {  	_ =	shalt  }
0x7d: {  	_ =	shalt  }
0x7e: {  	_ =	shalt  }
0x7f: {  	_ =	shalt  }
0x80: {  	_ =	shalt  }
0x81: {  	_ =	shalt  }
0x82: {  	_ =	shalt  }
0x83: {  	_ =	shalt  }
0x84: {  	_ =	shalt  }
0x85: {  	_ =	shalt  }
0x86: {  	_ =	shalt  }
0x87: {  	_ =	shalt  }
.Lfunc_end0:
.L_simem_size_0:
called_computation_lowered:
.L_overlay_start_0:
0x88: {  	s2 =	sld [smem:$0x3FD9]  }
0x89: {  	s3 =	sld [smem:$0x3FFE];
	_ =	sdelay $0x1  }
0x8a: {  	s1 =	srdreg.scid  }
0x8b: {  	s0 =	sand.u32 $0x1, s1  }
0x8c: {  	s17 =	sshll.u32 s0, $0xA;
	s2 =	sadd.s32 s3, s2  }
0x8d: {  	s2 =	sadd.s32 s2, s17  }
0x8e: {  	[smem:$0x3FC4] =	sst s2  }
0x8f: {  	_ = 	snop  }
0x90: {  	s2 =	sld [smem:$0x3FC9]  }
0x91: {  	s18 =	sld [smem:$0x3FD0];
	(tm) =	ssettm $0x1  }
0x92: {  	s4 =	sld [smem:$0x3FFB];
	_ =	sdelay $0x3  }
0x93: {  	_ =	strace s4  }
0x94: {  	s4 =	sld [smem:$0x3FFC];
	_ =	sdelay $0x3  }
0x95: {  	_ =	strace s4  }
0x96: {  	s4 =	sld [smem:$0x3FFD];
	_ =	sdelay $0x3  }
0x97: {  	_ =	strace s4  }
0x98: {  	_ =	strace $0x8FFFFFFF  }
0x99: {  	s19 =	sld [smem:$0x3FDB];
	_ =	sdelay $0x1  }
0x9a: {  	s5 =	simm.s32 $_scs_section_size  }
0x9b: {  	s6 =	simm.s32 $_size__tile_overlayer_lowered;
	s7 =	simm.s32 $_tile_overlayer_lowered  }
0x9c: {  	s22 =	simm.s32 $0x1BFF;
	s21 =	sshll.u32 s7, $0x1;
	s4 =	sadd.s32 s5, s19  }
0x9d: {  	s8 =	simm.s32 $0x0;
	s20 =	sshll.u32 s6, $0x1;
	s6 =	sadd.s32 s21, s4  }
0x9e: {  	[timem:s8], [sflag:s22] =	dma.local [hbm:s6], s20  }
0x9f: {  	_ =	swait.ge [sflag:s22], s20  }
0xa0: {  	s5 =	ssub.s32 $0x0, s20;
	[sflag:s22] =	ssyncset.done $0x0  }
0xa1: {  	[sflag:s22] =	ssyncadd.s32 s5;
	_ =	sdelay $0x1  }
0xa2: {  	s23 =	simm.s32 $0x1B8B  }
0xa3: {  	_ =	swait.ge [sflag:s23], $0x1  }
0xa4: {  	[sflag:s23] =	ssyncset.done $0x0  }
0xa5: {  	s25 =	simm.s32 $0x1B8E;
	s24 =	sld [smem:$0x3FFE];
	[sflag:s23] =	ssyncadd.s32 $0xFFFFFFFF  }
0xa6: {  	s26 =	simm.s32 $execute0_lowered;
	[smem:$0x3FD2] =	sst s25  }
0xa7: {  	s6 =	sshll.u32 s26, $0x1;
	_ =	strace $0x80000046;
	[dreg:$0x1] =	wrdreg $0xFFFFFFFF  }
0xa8: {  	s28 =	simm.s32 $_size_execute0_lowered;
	s4 =	sadd.s32 s4, s6;
	[dreg:$0x0] =	wrdreg $0x0  }
0xa9: {  	s6 =	sshll.u32 s28, $0x1;
	[dreg:$0x2] =	wrdreg s4  }
0xaa: {  	[dreg:$0x3] =	wrdreg s6  }
0xab: {  	[dreg:$0x4] =	wrdreg $0xC0  }
0xac: {  	_ =	task [dreg:s8], $0x5FFFF  }
0xad: {  	[dreg:$0x1] =	wrdreg $0xFFFFFFFF  }
0xae: {  	[dreg:$0x0] =	wrdreg $0x60  }
0xaf: {  	[dreg:$0x2] =	wrdreg s24  }
0xb0: {  	[dreg:$0x3] =	wrdreg s2  }
0xb1: {  	[dreg:$0x4] =	wrdreg s18  }
0xb2: {  	[dreg:$0x5] =	wrdreg $0x0  }
0xb3: {  	[dreg:$0x6] =	wrdreg $0x9  }
0xb4: {  	_ =	task.clear_ibuf [dreg:s8], $0x7FFFF;
	_ =	strace $0x90000046  }
0xb5: {  	s29 =	simm.s32 $0x9;
	_ =	strace $0x80000048  }
0xb6: {  	_ =	swait.ge [sflag:s29], $0x1  }
0xb7: {  	[sflag:s29] =	ssyncadd.s32 $0xFFFFFFFF  }
0xb8: {  	_ =	strace $0x90000048  }
0xb9: {  	_ =	sfence  }
0xba: {  	s30 =	sld [smem:$0x0];
	_ =	sdelay $0x2  }
0xbb: {  	s31 =	sshll.u32 s1, $0xD;
	s1 =	sshrl.u32 s1, $0x2  }
0xbc: {  	s3 =	sand.u32 $0x4000, s31;
	s1 =	sadd.s32 s1, s30  }
0xbd: {  	s0 =	sor.u32 s3, s0;
	s1 =	sshll.u32 s1, $0x11  }
0xbe: {  	s0 =	sor.u32 s1, s0  }
0xbf: {  	s0 =	sadd.s32 $0x8F2B, s0  }
0xc0: {  	[sflag:s0] =	ssyncadd.remote.s32 $0x1  }
0xc1: {  	_ =	sfence.sel $0xFFFF  }
0xc2: {  	[dreg:$0x0] =	wrdreg $0xFFFFFFFF;
	(pc) =	sbr.abs _section_cstart, $3  }
0xc3: {  	[dreg:$0x1] =	wrdreg $0xFFFFFFFF  }
0xc4: {  	_ =	task.clear_ibuf [dreg:s8], $0x2FFFF;
	_ =	strace $0x9FFFFFFF  }
0xc5: {  	(tm) =	ssettm $0x7FFFFFFF  }
tec
execute0_lowered:
.L_overlay_start_1:
0x0: {  	(tag) =	ssettag $0x1  }
0x1: {  	s1 =	rddreg [dreg:$0x0]  }
0x2: {  	s5 =	rddreg [dreg:$0x1]  }
0x3: {  	s0 =	rddreg [dreg:$0x2]  }
0x4: {  	s3 =	srdreg.scid;
	s6 =	stileid.u32  }
0x5: {  	s2 =	rddreg [dreg:$0x3];
	s7 =	sand.u32 $0x1, s3;
	s3 =	simm.s32 $0x0  }
0x6: {  	s28 =	simm.s32 $0x8CC0;
	s1 =	sadd.s32 $0xC00, s1;
	[smem:$0x7FF] =	sst s3  }
0x7: {  	s4 =	sshll.u32 s6, $0x1;
	_ =	strace $0x80000047;
	[dreg:$0xd] =	wrdreg s1  }
0x8: {  	s29 =	simm.s32 $0xA0C0;
	s4 =	sor.u32 s7, s4;
	[dreg:$0x9] =	wrdreg s28  }
0x9: {  	s30 =	simm.s32 $0xB4C0;
	s4 =	smul.u32 $0x2710, s4;
	[dreg:$0xa] =	wrdreg s29  }
0xa: {  	s31 =	simm.s32 $0xC8C0;
	[dreg:$0xb] =	wrdreg s30  }
0xb: {  	[dreg:$0xc] =	wrdreg s31;
	s8 =	sadd.s32 $0x28, s4  }
0xc: {  	s7 =	ssub.s32 $0x2, s7;
	s23 =	sadd.s32 $0x50, s4;
	[dreg:$0x5] =	wrdreg s8  }
0xd: {  	s22 =	sshrl.u32 s7, $0x1;
	s25 =	sadd.s32 $0x78, s4;
	[dreg:$0x6] =	wrdreg s23  }
0xe: {  	s1 =	ssub.s32 s7, s22;
	s26 =	sadd.s32 $0xA0, s4;
	[dreg:$0x7] =	wrdreg s25  }
0xf: {  	s24 =	sshrl.u32 s4, $0x3;
	s1 =	smax.u32 s1, $0x1;
	[dreg:$0x8] =	wrdreg s26  }
0x10: {  	p0 =	sne.s32 s6, $0x0;
	s5 =	sadd.s32 s5, s24;
	[dreg:$0xf] =	wrdreg s1  }
0x11: {  	s1 =	sshrl.u32 @!p0 s2, $0x3;
	[dreg:$0xe] =	wrdreg s5  }
0x12: {  	s14 =	simm.s32 $0xDCC0;
	s6 =	simm.s32 $0x0;
	[dreg:$0x10] =	wrdreg s1  }
.LBB2_1:
0x13: {  	[dreg:$0x11] =	wrdreg s6  }
0x14: {  	s5 =	rddreg [dreg:$0xd]  }
0x15: {  	s1 =	simm.s32 @!p0 $0x1C15;
	s6 =	rddreg [dreg:$0x10]  }
0x16: {  	[spmem:s6], [sflag:s1] =	dma.local @!p0 [hbm:s5], $0x280  }
0x17: {  	s1 =	simm.s32 @!p0 $0x15  }
0x18: {  	_ =	swait.ge @!p0 [sflag:s1], $0x280  }
0x19: {  	s7 =	simm.s32 $0x140;
	[sflag:s1] =	ssyncset.done @!p0 $0x0  }
0x1a: {  	s10 =	simm.s32 $0x15;
	s6 =	rddreg [dreg:$0xe];
	[sflag:s1] =	ssyncadd.s32 @!p0 $0xFFFFFD80  }
0x1b: {  	[tilespmem:s7], [sflag:$0x15] =	stream.linear.gather [hbm4b:s6+s3], $0x2710, $0x38;
	[tilespmem:$0xF0C0] =	vst v63  }
0x1c: {  	_ =	swait.ge [sflag:s10], $0x2710  }
0x1d: {  	[sflag:s10] =	ssyncset.done $0x0  }
0x1e: {  	[sflag:s10] =	ssyncadd.s32 $0xFFFFD8F0  }
0x1f: {  	s8 =	simm.s32 $0x28;
	s9 =	simm.s32 $0x28C0;
	[bflag:$0x0] =	sbarrier.arrive $0xFFFF  }
0x20: {  	[tilespmem:s9], [sflag:$0x1] =	stream.indirect.gather [spmem:s2], $0x80, s7, s8, $0xb8;
	[tilespmem:$0xF0C0] =	vst v63  }
0x21: {  	s11 =	simm.s32 $0x168;
	s10 =	simm.s32 $0x3CC0  }
0x22: {  	[tilespmem:s10], [sflag:$0x2] =	stream.indirect.gather [spmem:s2], $0x80, s11, s8, $0xb8;
	[tilespmem:$0xF0C0] =	vst v63  }
0x23: {  	s12 =	simm.s32 $0x190;
	p1 =	por $0x0, $0x0;
	s11 =	simm.s32 $0x50C0  }
0x24: {  	[tilespmem:s11], [sflag:$0x3] =	stream.indirect.gather [spmem:s2], $0x80, s12, s8, $0xb8;
	[tilespmem:$0xF0C0] =	vst v63  }
0x25: {  	s13 =	simm.s32 $0x1B8;
	p2 =	por p1, p1;
	s12 =	simm.s32 $0x64C0  }
0x26: {  	[tilespmem:s12], [sflag:$0x4] =	stream.indirect.gather [spmem:s2], $0x80, s13, s8, $0xb8;
	[tilespmem:$0xF0C0] =	vst v63  }
0x27: {  	s15 =	simm.s32 $0x1E0;
	s1 =	simm.s32 @p2 $0x10;
	s13 =	simm.s32 $0x78C0  }
0x28: {  	[tilespmem:s13], [sflag:$0x5] =	stream.indirect.gather [spmem:s2], $0x80, s15, s8, $0xb8;
	[tilespmem:$0xF0C0] =	vst v63  }
0x29: {  	_ =	swait.ge @p2 [sflag:s1], $0x1400  }
0x2a: {  	s5 =	simm.s32 @p1 $0x208;
	s6 =	simm.s32 @p2 $0x11;
	[sflag:s1] =	ssyncset.done @p2 $0x0  }
0x2b: {  	s7 =	simm.s32 @p2 $0x8CC0;
	[sflag:s1] =	ssyncadd.s32 @p2 $0xFFFFEC00;
	s1 =	simm.s32 @p2 $0x28  }
0x2c: {  	[tilespmem:s7], [sflag:$0x6] =	stream.indirect.gather @p2 [spmem:s2], $0x80, s5, s1, $0xb8;
	[tilespmem:$0xF0C0] =	vst v63  }
0x2d: {  	_ =	swait.ge @p2 [sflag:s6], $0x1400  }
0x2e: {  	s5 =	simm.s32 @p1 $0x230;
	[sflag:s6] =	ssyncset.done @p2 $0x0  }
0x2f: {  	s7 =	simm.s32 @p2 $0x12;
	[sflag:s6] =	ssyncadd.s32 @p2 $0xFFFFEC00;
	s6 =	simm.s32 @p2 $0xA0C0  }
0x30: {  	[tilespmem:s6], [sflag:$0x7] =	stream.indirect.gather @p2 [spmem:s2], $0x80, s5, s1, $0xb8;
	[tilespmem:$0xF0C0] =	vst v63  }
0x31: {  	_ =	swait.ge @p2 [sflag:s7], $0x1400  }
0x32: {  	s5 =	simm.s32 @p1 $0x258;
	[sflag:s7] =	ssyncset.done @p2 $0x0  }
0x33: {  	s6 =	simm.s32 @p2 $0xB4C0;
	[sflag:s7] =	ssyncadd.s32 @p2 $0xFFFFEC00;
	s7 =	simm.s32 @p2 $0x13  }
0x34: {  	[tilespmem:s6], [sflag:$0x8] =	stream.indirect.gather @p2 [spmem:s2], $0x80, s5, s1, $0xb8;
	[tilespmem:$0xF0C0] =	vst v63  }
0x35: {  	_ =	swait.ge @p2 [sflag:s7], $0x1400  }
0x36: {  	s5 =	simm.s32 @p1 $0x280;
	[sflag:s7] =	ssyncset.done @p2 $0x0  }
0x37: {  	s6 =	simm.s32 @p2 $0xC8C0;
	[sflag:s7] =	ssyncadd.s32 @p2 $0xFFFFEC00;
	s7 =	simm.s32 @p2 $0x14  }
0x38: {  	[tilespmem:s6], [sflag:$0x9] =	stream.indirect.gather @p2 [spmem:s2], $0x80, s5, s1, $0xb8;
	[tilespmem:$0xF0C0] =	vst v63  }
0x39: {  	_ =	swait.ge @p2 [sflag:s7], $0x1400  }
0x3a: {  	s1 =	simm.s32 @!p2 $0x8CC0;
	[sflag:s7] =	ssyncset.done @p2 $0x0  }
0x3b: {  	s6 =	simm.s32 @!p2 $0x28;
	s5 =	simm.s32 @!p2 $0x208;
	[sflag:s7] =	ssyncadd.s32 @p2 $0xFFFFEC00  }
0x3c: {  	[tilespmem:s1], [sflag:$0x6] =	stream.indirect.gather @!p2 [spmem:s2], $0x80, s5, s6, $0xb8;
	[tilespmem:$0xF0C0] =	vst v63  }
0x3d: {  	s1 =	simm.s32 @!p2 $0x230;
	s5 =	simm.s32 @!p2 $0xA0C0  }
0x3e: {  	[tilespmem:s5], [sflag:$0x7] =	stream.indirect.gather @!p2 [spmem:s2], $0x80, s1, s6, $0xb8;
	[tilespmem:$0xF0C0] =	vst v63  }
0x3f: {  	s1 =	simm.s32 @!p2 $0x258;
	s5 =	simm.s32 @!p2 $0xB4C0  }
0x40: {  	[tilespmem:s5], [sflag:$0x8] =	stream.indirect.gather @!p2 [spmem:s2], $0x80, s1, s6, $0xb8;
	[tilespmem:$0xF0C0] =	vst v63  }
0x41: {  	s7 =	simm.s32 @!p2 $0xC8C0;
	s5 =	simm.s32 @p1 $0xC8;
	s1 =	simm.s32 @!p2 $0x280  }
0x42: {  	[tilespmem:s7], [sflag:$0x9] =	stream.indirect.gather @!p2 [spmem:s2], $0x80, s1, s6, $0xb8;
	[tilespmem:$0xF0C0] =	vst v63  }
0x43: {  	s5 =	simm.s32 @!p1 $0xC8;
	s1 =	simm.s32 $0x0  }
0x44: {  	s17 =	simm.s32 $0x1;
	s16 =	sadd.s32 $0x1E0, s5;
	s1 =	simm.s32 @!p2 $0x0  }
0x45: {  	[tilespmem:s14], [sflag:$0xA] =	stream.indirect.gather [spmem:s2], $0x80, s16, s8, $0xb8;
	[tilespmem:$0xF0C0] =	vst v63  }
0x46: {  	s18 =	sadd.s32 s4, s1;
	_ =	swait.ge [sflag:s17], $0x1400  }
0x47: {  	s6 =	sshll.u32 s18, $0x4;
	[sflag:s17] =	ssyncset.done $0x0  }
0x48: {  	s19 =	simm.s32 $0x2;
	s6 =	sadd.s32 s0, s6;
	[sflag:s17] =	ssyncadd.s32 $0xFFFFEC00  }
0x49: {  	[hbm4b:s6+s3] =	stream.linear.scatter [tilespmem:s9], [sflag:$0xB], $0x1400, $0x38;
	[tilespmem:$0xF0C0] =	vst v63  }
0x4a: {  	_ =	swait.ge [sflag:s19], $0x1400  }
0x4b: {  	s20 =	rddreg [dreg:$0x5]  }
0x4c: {  	s6 =	sadd.s32 s1, s20  }
0x4d: {  	[sflag:s19] =	ssyncset.done $0x0;
	s6 =	sshll.u32 s6, $0x4  }
0x4e: {  	s21 =	simm.s32 $0x3;
	[sflag:s19] =	ssyncadd.s32 $0xFFFFEC00;
	s6 =	sadd.s32 s0, s6  }
0x4f: {  	[hbm4b:s6+s3] =	stream.linear.scatter [tilespmem:s10], [sflag:$0xC], $0x1400, $0x38;
	[tilespmem:$0xF0C0] =	vst v63  }
0x50: {  	_ =	swait.ge [sflag:s21], $0x1400  }
0x51: {  	s22 =	rddreg [dreg:$0x6]  }
0x52: {  	s6 =	sadd.s32 s1, s22  }
0x53: {  	[sflag:s21] =	ssyncset.done $0x0;
	s6 =	sshll.u32 s6, $0x4  }
0x54: {  	s23 =	simm.s32 $0x4;
	[sflag:s21] =	ssyncadd.s32 $0xFFFFEC00;
	s6 =	sadd.s32 s0, s6  }
0x55: {  	[hbm4b:s6+s3] =	stream.linear.scatter [tilespmem:s11], [sflag:$0xD], $0x1400, $0x38;
	[tilespmem:$0xF0C0] =	vst v63  }
0x56: {  	_ =	swait.ge [sflag:s23], $0x1400  }
0x57: {  	s24 =	rddreg [dreg:$0x7]  }
0x58: {  	s6 =	sadd.s32 s1, s24  }
0x59: {  	[sflag:s23] =	ssyncset.done $0x0;
	s6 =	sshll.u32 s6, $0x4  }
0x5a: {  	s25 =	simm.s32 $0x5;
	[sflag:s23] =	ssyncadd.s32 $0xFFFFEC00;
	s6 =	sadd.s32 s0, s6  }
0x5b: {  	[hbm4b:s6+s3] =	stream.linear.scatter [tilespmem:s12], [sflag:$0xE], $0x1400, $0x38;
	[tilespmem:$0xF0C0] =	vst v63  }
0x5c: {  	_ =	swait.ge [sflag:s25], $0x1400  }
0x5d: {  	s26 =	rddreg [dreg:$0x8]  }
0x5e: {  	s1 =	sadd.s32 s1, s26  }
0x5f: {  	[sflag:s25] =	ssyncset.done $0x0;
	s1 =	sshll.u32 s1, $0x4  }
0x60: {  	s28 =	simm.s32 $0xB;
	[sflag:s25] =	ssyncadd.s32 $0xFFFFEC00;
	s1 =	sadd.s32 s0, s1  }
0x61: {  	[hbm4b:s1+s3] =	stream.linear.scatter [tilespmem:s13], [sflag:$0xF], $0x1400, $0x38;
	[tilespmem:$0xF0C0] =	vst v63  }
0x62: {  	p2 =	por $0x1, $0x1;
	_ =	swait.ge [sflag:s28], $0x1400  }
0x63: {  	s7 =	simm.s32 @p2 $0x28C0;
	[sflag:s28] =	ssyncset.done $0x0  }
0x64: {  	s6 =	simm.s32 @p2 $0x2D0;
	s1 =	simm.s32 @p2 $0x28;
	[sflag:s28] =	ssyncadd.s32 $0xFFFFEC00  }
0x65: {  	[tilespmem:s7], [sflag:$0x1] =	stream.indirect.gather @p2 [spmem:s2], $0x80, s6, s1, $0xb8;
	[tilespmem:$0xF0C0] =	vst v63  }
0x66: {  	s6 =	simm.s32 @p2 $0xC  }
0x67: {  	_ =	swait.ge @p2 [sflag:s6], $0x1400  }
0x68: {  	s8 =	simm.s32 @p2 $0x3CC0;
	[sflag:s6] =	ssyncset.done @p2 $0x0  }
0x69: {  	s7 =	simm.s32 @p2 $0x2F8;
	[sflag:s6] =	ssyncadd.s32 @p2 $0xFFFFEC00;
	s6 =	simm.s32 @p2 $0xD  }
0x6a: {  	[tilespmem:s8], [sflag:$0x2] =	stream.indirect.gather @p2 [spmem:s2], $0x80, s7, s1, $0xb8;
	[tilespmem:$0xF0C0] =	vst v63  }
0x6b: {  	_ =	swait.ge @p2 [sflag:s6], $0x1400  }
0x6c: {  	s7 =	simm.s32 @p2 $0x320;
	[sflag:s6] =	ssyncset.done @p2 $0x0  }
0x6d: {  	s8 =	simm.s32 @p2 $0x50C0;
	[sflag:s6] =	ssyncadd.s32 @p2 $0xFFFFEC00;
	s6 =	simm.s32 @p2 $0xE  }
0x6e: {  	[tilespmem:s8], [sflag:$0x3] =	stream.indirect.gather @p2 [spmem:s2], $0x80, s7, s1, $0xb8;
	[tilespmem:$0xF0C0] =	vst v63  }
0x6f: {  	s29 =	sadd.s32 s4, s5;
	s5 =	sadd.s32 $0xA0, s5;
	_ =	swait.ge @p2 [sflag:s6], $0x1400  }
0x70: {  	s15 =	sadd.s32 s4, s5;
	s7 =	simm.s32 @p2 $0x348;
	[sflag:s6] =	ssyncset.done @p2 $0x0  }
0x71: {  	s8 =	simm.s32 @p2 $0x64C0;
	[sflag:s6] =	ssyncadd.s32 @p2 $0xFFFFEC00;
	s6 =	simm.s32 @p2 $0xF  }
0x72: {  	[tilespmem:s8], [sflag:$0x4] =	stream.indirect.gather @p2 [spmem:s2], $0x80, s7, s1, $0xb8;
	[tilespmem:$0xF0C0] =	vst v63  }
0x73: {  	s17 =	simm.s32 $0x6;
	s19 =	simm.s32 $0x640;
	_ =	swait.ge @p2 [sflag:s6], $0x1400  }
0x74: {  	s20 =	sshll.u32 s15, $0x4;
	s7 =	simm.s32 @p2 $0x370;
	[sflag:s6] =	ssyncset.done @p2 $0x0  }
0x75: {  	s8 =	simm.s32 @p2 $0x78C0;
	[sflag:s6] =	ssyncadd.s32 @p2 $0xFFFFEC00;
	s6 =	simm.s32 @!p2 $0xC  }
0x76: {  	[tilespmem:s8], [sflag:$0x5] =	stream.indirect.gather @p2 [spmem:s2], $0x80, s7, s1, $0xb8;
	[tilespmem:$0xF0C0] =	vst v63  }
0x77: {  	s20 =	sadd.s32 s0, s20;
	s22 =	simm.s32 $0x7;
	_ =	swait.ge @!p2 [sflag:s6], $0x1400  }
0x78: {  	s25 =	simm.s32 $0x8;
	s1 =	simm.s32 @!p2 $0xD;
	[sflag:s6] =	ssyncset.done @!p2 $0x0  }
0x79: {  	s7 =	sshll.u32 s29, $0x4;
	s8 =	simm.s32 @!p2 $0xE;
	[sflag:s6] =	ssyncadd.s32 @!p2 $0xFFFFEC00  }
0x7a: {  	s29 =	simm.s32 $0x9;
	s6 =	simm.s32 @p1 $0xF0;
	_ =	swait.ge @!p2 [sflag:s1], $0x1400  }
0x7b: {  	s7 =	sadd.s32 s0, s7;
	s6 =	simm.s32 @!p1 $0xF0;
	[sflag:s1] =	ssyncset.done @!p2 $0x0  }
0x7c: {  	s6 =	sadd.s32 s4, s6;
	[sflag:s1] =	ssyncadd.s32 @!p2 $0xFFFFEC00;
	s1 =	simm.s32 @p1 $0x118  }
0x7d: {  	s30 =	sshll.u32 s6, $0x4;
	s6 =	simm.s32 @!p2 $0xF;
	_ =	swait.ge @!p2 [sflag:s8], $0x1400  }
0x7e: {  	s1 =	simm.s32 @!p1 $0x118;
	s10 =	sadd.s32 s0, s30;
	[sflag:s8] =	ssyncset.done @!p2 $0x0  }
0x7f: {  	s1 =	sadd.s32 s4, s1;
	[sflag:s8] =	ssyncadd.s32 @!p2 $0xFFFFEC00;
	s8 =	simm.s32 @p1 $0x140  }
0x80: {  	s31 =	sshll.u32 s1, $0x4;
	s1 =	simm.s32 $0x190;
	_ =	swait.ge @!p2 [sflag:s6], $0x1400  }
0x81: {  	s8 =	simm.s32 @!p1 $0x140;
	p1 =	por $0x1, $0x1;
	s14 =	sadd.s32 s0, s31  }
0x82: {  	s31 =	simm.s32 $0xA;
	[sflag:s6] =	ssyncset.done @!p2 $0x0;
	s16 =	sadd.s32 s4, s8  }
0x83: {  	s9 =	simm.s32 @p1 $0x258;
	s18 =	simm.s32 @p1 $0x398;
	s11 =	simm.s32 @p1 $0x3E8  }
0x84: {  	s12 =	simm.s32 @p1 $0x410;
	s15 =	simm.s32 @p1 $0x280;
	[sflag:s6] =	ssyncadd.s32 @!p2 $0xFFFFEC00  }
0x85: {  	s5 =	sshll.u32 s16, $0x4;
	s6 =	simm.s32 $0xC80;
	_ =	swait.ge [sflag:s17], $0x1400  }
0x86: {  	s16 =	simm.s32 @p1 $0x3C0;
	s9 =	simm.s32 @!p1 $0xC8;
	[sflag:s17] =	ssyncset.done $0x0  }
0x87: {  	s15 =	simm.s32 @!p1 $0xF0;
	s21 =	rddreg [dreg:$0x9];
	[sflag:s17] =	ssyncadd.s32 $0xFFFFEC00  }
0x88: {  	[hbm4b:s7+s3] =	stream.linear.scatter [tilespmem:s21], [sflag:$0x10], $0x1400, $0x38;
	[tilespmem:$0xF0C0] =	vst v63  }
0x89: {  	s24 =	sadd.s32 s4, s9;
	s26 =	sadd.s32 s4, s15;
	_ =	swait.ge [sflag:s22], $0x1400  }
0x8a: {  	s5 =	sadd.s32 s0, s5;
	s8 =	sshll.u32 s24, $0x4;
	[sflag:s22] =	ssyncset.done $0x0  }
0x8b: {  	s7 =	simm.s32 @p1 $0x2A8;
	s23 =	rddreg [dreg:$0xa];
	[sflag:s22] =	ssyncadd.s32 $0xFFFFEC00  }
0x8c: {  	[hbm4b:s10+s3] =	stream.linear.scatter [tilespmem:s23], [sflag:$0x11], $0x1400, $0x38;
	[tilespmem:$0xF0C0] =	vst v63  }
0x8d: {  	s17 =	sadd.s32 $0xA0, s9;
	s7 =	simm.s32 @!p1 $0x118;
	_ =	swait.ge [sflag:s25], $0x1400  }
0x8e: {  	s30 =	sadd.s32 s4, s17;
	s7 =	sadd.s32 s4, s7;
	[sflag:s25] =	ssyncset.done $0x0  }
0x8f: {  	s15 =	sshll.u32 s7, $0x4;
	s28 =	rddreg [dreg:$0xb];
	[sflag:s25] =	ssyncadd.s32 $0xFFFFEC00  }
0x90: {  	[hbm4b:s14+s3] =	stream.linear.scatter [tilespmem:s28], [sflag:$0x12], $0x1400, $0x38;
	[tilespmem:$0xF0C0] =	vst v63  }
0x91: {  	s7 =	sshll.u32 s30, $0x4;
	s14 =	simm.s32 @p1 $0x2D0;
	_ =	swait.ge [sflag:s29], $0x1400  }
0x92: {  	s10 =	sshll.u32 s26, $0x4;
	s14 =	simm.s32 @!p1 $0x140;
	[sflag:s29] =	ssyncset.done $0x0  }
0x93: {  	s21 =	rddreg [dreg:$0xc];
	s14 =	sadd.s32 s4, s14;
	[sflag:s29] =	ssyncadd.s32 $0xFFFFEC00  }
0x94: {  	[hbm4b:s5+s3] =	stream.linear.scatter [tilespmem:s21], [sflag:$0x13], $0x1400, $0x38;
	[tilespmem:$0xF0C0] =	vst v63  }
0x95: {  	p1 =	por p1, p1;
	s17 =	sshll.u32 s14, $0x4;
	_ =	swait.ge [sflag:s31], $0x1400  }
0x96: {  	s14 =	simm.s32 $0x320;
	s5 =	simm.s32 @p1 $0x10;
	[sflag:s31] =	ssyncset.done $0x0  }
.LBB2_2:
0x97: {  	p3 =	sne.s32 s6, $0x0;
	s13 =	simm.s32 $0xA  }
0x98: {  	s25 =	smov.u32 s6;
	[sflag:s13] =	ssyncadd.s32 $0xFFFFEC00;
	s13 =	simm.s32 $0xDCC0  }
0x99: {  	[hbm4b:s20+s3] =	stream.linear.scatter [tilespmem:s13], [sflag:$0x14], $0x1400, $0x38;
	[tilespmem:$0xF0C0] =	vst v63  }
0x9a: {  	s21 =	simm.s32 @p1 $0x11;
	s22 =	simm.s32 @p1 $0x8CC0;
	_ =	swait.ge @p1 [sflag:s5], $0x1400  }
0x9b: {  	s26 =	sadd.s32 @p3 $0xC8, s14;
	s20 =	sshra.s32 @p3 s25, $0x2;
	[sflag:s5] =	ssyncset.done @p1 $0x0  }
0x9c: {  	s26 =	simm.s32 @!p3 $0xC8;
	[sflag:s5] =	ssyncadd.s32 @p1 $0xFFFFEC00;
	s5 =	simm.s32 @p1 $0x28  }
0x9d: {  	[tilespmem:s22], [sflag:$0x6] =	stream.indirect.gather @p1 [spmem:s2], $0x80, s18, s5, $0xb8;
	[tilespmem:$0xF0C0] =	vst v63  }
0x9e: {  	s28 =	sadd.s32 @p3 $0x208, s20;
	s30 =	sadd.s32 @p3 $0x230, s20;
	_ =	swait.ge @p1 [sflag:s21], $0x1400  }
0x9f: {  	s29 =	sadd.s32 @p3 $0x258, s20;
	s31 =	sadd.s32 @p3 $0x280, s20;
	[sflag:s21] =	ssyncset.done @p1 $0x0  }
0xa0: {  	s18 =	simm.s32 @p1 $0xA0C0;
	[sflag:s21] =	ssyncadd.s32 @p1 $0xFFFFEC00;
	s21 =	simm.s32 @p1 $0x12  }
0xa1: {  	[tilespmem:s18], [sflag:$0x7] =	stream.indirect.gather @p1 [spmem:s2], $0x80, s16, s5, $0xb8;
	[tilespmem:$0xF0C0] =	vst v63  }
0xa2: {  	s23 =	sadd.s32 s4, s26;
	s16 =	sadd.s32 @p3 $0xF0, s14;
	_ =	swait.ge @p1 [sflag:s21], $0x1400  }
0xa3: {  	s18 =	simm.s32 @p1 $0xB4C0;
	s16 =	simm.s32 @!p3 $0xF0;
	[sflag:s21] =	ssyncset.done @p1 $0x0  }
0xa4: {  	s16 =	sadd.s32 s4, s16;
	[sflag:s21] =	ssyncadd.s32 @p1 $0xFFFFEC00;
	s21 =	simm.s32 @p1 $0x13  }
0xa5: {  	[tilespmem:s18], [sflag:$0x8] =	stream.indirect.gather @p1 [spmem:s2], $0x80, s11, s5, $0xb8;
	[tilespmem:$0xF0C0] =	vst v63  }
0xa6: {  	s24 =	sadd.s32 $0xA0, s26;
	s22 =	sshll.u32 s16, $0x4;
	_ =	swait.ge @p1 [sflag:s21], $0x1400  }
0xa7: {  	s16 =	simm.s32 @p1 $0xC8C0;
	s11 =	sadd.s32 @p3 $0x118, s14;
	[sflag:s21] =	ssyncset.done @p1 $0x0  }
0xa8: {  	s18 =	simm.s32 @p1 $0x14;
	s11 =	simm.s32 @!p3 $0x118;
	[sflag:s21] =	ssyncadd.s32 @p1 $0xFFFFEC00  }
0xa9: {  	[tilespmem:s16], [sflag:$0x9] =	stream.indirect.gather @p1 [spmem:s2], $0x80, s12, s5, $0xb8;
	[tilespmem:$0xF0C0] =	vst v63  }
0xaa: {  	s20 =	sshll.u32 s23, $0x4;
	s11 =	sadd.s32 s4, s11;
	_ =	swait.ge @p1 [sflag:s18], $0x1400  }
0xab: {  	s23 =	sshll.u32 s11, $0x4;
	s11 =	simm.s32 @!p1 $0x8CC0;
	[sflag:s18] =	ssyncset.done @p1 $0x0  }
0xac: {  	s12 =	simm.s32 @!p1 $0x28;
	s16 =	simm.s32 @!p1 $0x208;
	[sflag:s18] =	ssyncadd.s32 @p1 $0xFFFFEC00  }
0xad: {  	[tilespmem:s11], [sflag:$0x6] =	stream.indirect.gather @!p1 [spmem:s2], $0x80, s16, s12, $0xb8;
	[tilespmem:$0xF0C0] =	vst v63  }
0xae: {  	s5 =	sadd.s32 s4, s24;
	s11 =	simm.s32 @!p1 $0x230;
	s16 =	simm.s32 @!p1 $0xA0C0  }
0xaf: {  	[tilespmem:s16], [sflag:$0x7] =	stream.indirect.gather @!p1 [spmem:s2], $0x80, s11, s12, $0xb8;
	[tilespmem:$0xF0C0] =	vst v63  }
0xb0: {  	s21 =	sshll.u32 s5, $0x4;
	s5 =	simm.s32 @!p1 $0x258;
	s11 =	simm.s32 @!p1 $0xB4C0  }
0xb1: {  	[tilespmem:s11], [sflag:$0x8] =	stream.indirect.gather @!p1 [spmem:s2], $0x80, s5, s12, $0xb8;
	[tilespmem:$0xF0C0] =	vst v63  }
0xb2: {  	s16 =	simm.s32 @!p1 $0xC8C0;
	s5 =	simm.s32 @!p1 $0x280  }
0xb3: {  	[tilespmem:s16], [sflag:$0x9] =	stream.indirect.gather @!p1 [spmem:s2], $0x80, s5, s12, $0xb8;
	[tilespmem:$0xF0C0] =	vst v63  }
0xb4: {  	s24 =	simm.s32 $0x28;
	s18 =	sadd.s32 $0x1E0, s9;
	s5 =	smov.u32 s1  }
0xb5: {  	s11 =	sadd.s32 @p3 $0x140, s14;
	s12 =	simm.s32 $0x1;
	s5 =	simm.s32 @!p1 $0x0  }
0xb6: {  	[tilespmem:s13], [sflag:$0xA] =	stream.indirect.gather [spmem:s2], $0x80, s18, s24, $0xb8;
	[tilespmem:$0xF0C0] =	vst v63  }
0xb7: {  	s11 =	simm.s32 @!p3 $0x140;
	s13 =	sadd.s32 s4, s5;
	_ =	swait.ge [sflag:s12], $0x1400  }
0xb8: {  	s18 =	simm.s32 $0x28C0;
	s16 =	sshll.u32 s13, $0x4;
	[sflag:s12] =	ssyncset.done $0x0  }
0xb9: {  	s13 =	simm.s32 $0x2;
	s1 =	sadd.s32 s0, s16;
	[sflag:s12] =	ssyncadd.s32 $0xFFFFEC00  }
0xba: {  	[hbm4b:s1+s3] =	stream.linear.scatter [tilespmem:s18], [sflag:$0xB], $0x1400, $0x38;
	[tilespmem:$0xF0C0] =	vst v63  }
0xbb: {  	s9 =	smov.u32 s26;
	s11 =	sadd.s32 s4, s11;
	_ =	swait.ge [sflag:s13], $0x1400  }
0xbc: {  	s24 =	sshll.u32 s11, $0x4;
	s16 =	smov.u32 s30;
	s30 =	rddreg [dreg:$0x5]  }
0xbd: {  	s11 =	smov.u32 s29;
	s18 =	smov.u32 s28;
	s28 =	sadd.s32 s5, s30  }
0xbe: {  	s29 =	simm.s32 $0x3CC0;
	[sflag:s13] =	ssyncset.done $0x0;
	s26 =	sshll.u32 s28, $0x4  }
0xbf: {  	[sflag:s13] =	ssyncadd.s32 $0xFFFFEC00;
	s30 =	simm.s32 $0x3;
	s26 =	sadd.s32 s0, s26  }
0xc0: {  	[hbm4b:s26+s3] =	stream.linear.scatter [tilespmem:s29], [sflag:$0xC], $0x1400, $0x38;
	[tilespmem:$0xF0C0] =	vst v63  }
0xc1: {  	_ =	swait.ge [sflag:s30], $0x1400  }
0xc2: {  	s12 =	smov.u32 s31;
	s31 =	rddreg [dreg:$0x6]  }
0xc3: {  	s26 =	sadd.s32 s5, s31  }
0xc4: {  	s28 =	simm.s32 $0x50C0;
	[sflag:s30] =	ssyncset.done $0x0;
	s26 =	sshll.u32 s26, $0x4  }
0xc5: {  	s29 =	simm.s32 $0x4;
	[sflag:s30] =	ssyncadd.s32 $0xFFFFEC00;
	s26 =	sadd.s32 s0, s26  }
0xc6: {  	[hbm4b:s26+s3] =	stream.linear.scatter [tilespmem:s28], [sflag:$0xD], $0x1400, $0x38;
	[tilespmem:$0xF0C0] =	vst v63  }
0xc7: {  	_ =	swait.ge [sflag:s29], $0x1400  }
0xc8: {  	s30 =	rddreg [dreg:$0x7]  }
0xc9: {  	s26 =	sadd.s32 s5, s30  }
0xca: {  	s31 =	simm.s32 $0x64C0;
	[sflag:s29] =	ssyncset.done $0x0;
	s26 =	sshll.u32 s26, $0x4  }
0xcb: {  	s28 =	simm.s32 $0x5;
	[sflag:s29] =	ssyncadd.s32 $0xFFFFEC00;
	s26 =	sadd.s32 s0, s26  }
0xcc: {  	[hbm4b:s26+s3] =	stream.linear.scatter [tilespmem:s31], [sflag:$0xE], $0x1400, $0x38;
	[tilespmem:$0xF0C0] =	vst v63  }
0xcd: {  	_ =	swait.ge [sflag:s28], $0x1400  }
0xce: {  	s29 =	rddreg [dreg:$0x8]  }
0xcf: {  	s5 =	sadd.s32 s5, s29  }
0xd0: {  	s30 =	simm.s32 $0x78C0;
	[sflag:s28] =	ssyncset.done $0x0;
	s5 =	sshll.u32 s5, $0x4  }
0xd1: {  	s31 =	simm.s32 $0xB;
	[sflag:s28] =	ssyncadd.s32 $0xFFFFEC00;
	s5 =	sadd.s32 s0, s5  }
0xd2: {  	[hbm4b:s5+s3] =	stream.linear.scatter [tilespmem:s30], [sflag:$0xF], $0x1400, $0x38;
	[tilespmem:$0xF0C0] =	vst v63  }
0xd3: {  	p1 =	por p3, p3;
	p3 =	sne.s32 s19, $0x9600;
	_ =	swait.ge [sflag:s31], $0x1400  }
0xd4: {  	s26 =	simm.s32 @p3 $0x28;
	s5 =	sshra.s32 @p3 s19, $0x2;
	[sflag:s31] =	ssyncset.done $0x0  }
0xd5: {  	s28 =	simm.s32 @p3 $0x28C0;
	s19 =	sadd.s32 @p3 $0x2D0, s5;
	[sflag:s31] =	ssyncadd.s32 $0xFFFFEC00  }
0xd6: {  	[tilespmem:s28], [sflag:$0x1] =	stream.indirect.gather @p3 [spmem:s2], $0x80, s19, s26, $0xb8;
	[tilespmem:$0xF0C0] =	vst v63  }
0xd7: {  	s28 =	simm.s32 @p3 $0xC  }
0xd8: {  	_ =	swait.ge @p3 [sflag:s28], $0x1400  }
0xd9: {  	s13 =	simm.s32 @p3 $0x3CC0;
	s29 =	sadd.s32 @p3 $0x2F8, s5;
	[sflag:s28] =	ssyncset.done @p3 $0x0  }
0xda: {  	s19 =	smov.u32 s25;
	s25 =	simm.s32 @p3 $0xD;
	[sflag:s28] =	ssyncadd.s32 @p3 $0xFFFFEC00  }
0xdb: {  	[tilespmem:s13], [sflag:$0x2] =	stream.indirect.gather @p3 [spmem:s2], $0x80, s29, s26, $0xb8;
	[tilespmem:$0xF0C0] =	vst v63  }
0xdc: {  	_ =	swait.ge @p3 [sflag:s25], $0x1400  }
0xdd: {  	s30 =	sadd.s32 @p3 $0x320, s5;
	[sflag:s25] =	ssyncset.done @p3 $0x0  }
0xde: {  	s13 =	simm.s32 @p3 $0x50C0;
	[sflag:s25] =	ssyncadd.s32 @p3 $0xFFFFEC00;
	s25 =	simm.s32 @p3 $0xE  }
0xdf: {  	[tilespmem:s13], [sflag:$0x3] =	stream.indirect.gather @p3 [spmem:s2], $0x80, s30, s26, $0xb8;
	[tilespmem:$0xF0C0] =	vst v63  }
0xe0: {  	_ =	swait.ge @p3 [sflag:s25], $0x1400  }
0xe1: {  	s31 =	sadd.s32 @p3 $0x348, s5;
	[sflag:s25] =	ssyncset.done @p3 $0x0  }
0xe2: {  	s13 =	simm.s32 @p3 $0x64C0;
	[sflag:s25] =	ssyncadd.s32 @p3 $0xFFFFEC00;
	s25 =	simm.s32 @p3 $0xF  }
0xe3: {  	[tilespmem:s13], [sflag:$0x4] =	stream.indirect.gather @p3 [spmem:s2], $0x80, s31, s26, $0xb8;
	[tilespmem:$0xF0C0] =	vst v63  }
0xe4: {  	_ =	swait.ge @p3 [sflag:s25], $0x1400  }
0xe5: {  	s5 =	sadd.s32 @p3 $0x370, s5;
	[sflag:s25] =	ssyncset.done @p3 $0x0  }
0xe6: {  	s13 =	simm.s32 @p3 $0x78C0;
	[sflag:s25] =	ssyncadd.s32 @p3 $0xFFFFEC00;
	s25 =	simm.s32 @!p3 $0xC  }
0xe7: {  	[tilespmem:s13], [sflag:$0x5] =	stream.indirect.gather @p3 [spmem:s2], $0x80, s5, s26, $0xb8;
	[tilespmem:$0xF0C0] =	vst v63  }
0xe8: {  	_ =	swait.ge @!p3 [sflag:s25], $0x1400  }
0xe9: {  	[sflag:s25] =	ssyncset.done @!p3 $0x0  }
0xea: {  	s5 =	simm.s32 @!p3 $0xD;
	[sflag:s25] =	ssyncadd.s32 @!p3 $0xFFFFEC00  }
0xeb: {  	_ =	swait.ge @!p3 [sflag:s5], $0x1400  }
0xec: {  	[sflag:s5] =	ssyncset.done @!p3 $0x0  }
0xed: {  	s13 =	simm.s32 @!p3 $0xE;
	[sflag:s5] =	ssyncadd.s32 @!p3 $0xFFFFEC00  }
0xee: {  	_ =	swait.ge @!p3 [sflag:s13], $0x1400  }
0xef: {  	[sflag:s13] =	ssyncset.done @!p3 $0x0  }
0xf0: {  	s5 =	simm.s32 @!p3 $0xF;
	[sflag:s13] =	ssyncadd.s32 @!p3 $0xFFFFEC00  }
0xf1: {  	_ =	swait.ge @!p3 [sflag:s5], $0x1400  }
0xf2: {  	[sflag:s5] =	ssyncset.done @!p3 $0x0  }
0xf3: {  	s26 =	simm.s32 $0x6;
	[sflag:s5] =	ssyncadd.s32 @!p3 $0xFFFFEC00  }
0xf4: {  	_ =	swait.ge [sflag:s26], $0x1400  }
0xf5: {  	s29 =	sadd.s32 s0, s8;
	[sflag:s26] =	ssyncset.done $0x0  }
0xf6: {  	s30 =	simm.s32 $0x7;
	s28 =	rddreg [dreg:$0x9];
	[sflag:s26] =	ssyncadd.s32 $0xFFFFEC00  }
0xf7: {  	[hbm4b:s29+s3] =	stream.linear.scatter [tilespmem:s28], [sflag:$0x10], $0x1400, $0x38;
	[tilespmem:$0xF0C0] =	vst v63  }
0xf8: {  	s6 =	sadd.s32 $0x640, s6;
	s8 =	smov.u32 s20;
	_ =	swait.ge [sflag:s30], $0x1400  }
0xf9: {  	s20 =	sadd.s32 s0, s10;
	s10 =	smov.u32 s22;
	[sflag:s30] =	ssyncset.done $0x0  }
0xfa: {  	s22 =	simm.s32 $0x8;
	s31 =	rddreg [dreg:$0xa];
	[sflag:s30] =	ssyncadd.s32 $0xFFFFEC00  }
0xfb: {  	[hbm4b:s20+s3] =	stream.linear.scatter [tilespmem:s31], [sflag:$0x11], $0x1400, $0x38;
	[tilespmem:$0xF0C0] =	vst v63  }
0xfc: {  	p2 =	sne.s32 s6, $0x9C40;
	_ =	swait.ge [sflag:s22], $0x1400  }
0xfd: {  	s1 =	smov.u32 s14;
	s26 =	sadd.s32 s0, s15;
	[sflag:s22] =	ssyncset.done $0x0  }
0xfe: {  	s28 =	simm.s32 $0x9;
	s25 =	rddreg [dreg:$0xb];
	[sflag:s22] =	ssyncadd.s32 $0xFFFFEC00  }
0xff: {  	[hbm4b:s26+s3] =	stream.linear.scatter [tilespmem:s25], [sflag:$0x12], $0x1400, $0x38;
	[tilespmem:$0xF0C0] =	vst v63  }
0x100: {  	s14 =	sadd.s32 $0x190, s14;
	s5 =	simm.s32 @p1 $0x10;
	_ =	swait.ge [sflag:s28], $0x1400  }
.Ltmp0:
0x101: {  	s30 =	sadd.s32 s0, s17;
	[sflag:s28] =	ssyncset.done $0x0;
	(pc) =	sbr.rel @p2 .LBB2_2-.Ltmp0, $4  }
0x102: {  	s31 =	simm.s32 $0xA;
	s29 =	rddreg [dreg:$0xc];
	[sflag:s28] =	ssyncadd.s32 $0xFFFFEC00  }
0x103: {  	[hbm4b:s30+s3] =	stream.linear.scatter [tilespmem:s29], [sflag:$0x13], $0x1400, $0x38;
	[tilespmem:$0xF0C0] =	vst v63  }
0x104: {  	s15 =	smov.u32 s23;
	s17 =	smov.u32 s24;
	_ =	swait.ge [sflag:s31], $0x1400  }
0x105: {  	s20 =	sadd.s32 s0, s7;
	s7 =	smov.u32 s21;
	[sflag:s31] =	ssyncset.done $0x0  }
0x106: {  	s14 =	simm.s32 $0xA  }
0x107: {  	s13 =	simm.s32 $0xDCC0;
	[sflag:s14] =	ssyncadd.s32 $0xFFFFEC00  }
0x108: {  	[hbm4b:s20+s3] =	stream.linear.scatter [tilespmem:s13], [sflag:$0x14], $0x1400, $0x38;
	[tilespmem:$0xF0C0] =	vst v63  }
0x109: {  	_ =	swait.ge @p1 [sflag:s5], $0x1400  }
0x10a: {  	[sflag:s5] =	ssyncset.done @p1 $0x0  }
0x10b: {  	s6 =	simm.s32 @p1 $0x8CC0;
	[sflag:s5] =	ssyncadd.s32 @p1 $0xFFFFEC00;
	s5 =	simm.s32 @p1 $0x28  }
0x10c: {  	[tilespmem:s6], [sflag:$0x6] =	stream.indirect.gather @p1 [spmem:s2], $0x80, s18, s5, $0xb8;
	[tilespmem:$0xF0C0] =	vst v63  }
0x10d: {  	s6 =	simm.s32 @p1 $0x11  }
0x10e: {  	_ =	swait.ge @p1 [sflag:s6], $0x1400  }
0x10f: {  	[sflag:s6] =	ssyncset.done @p1 $0x0  }
0x110: {  	[sflag:s6] =	ssyncadd.s32 @p1 $0xFFFFEC00;
	s6 =	simm.s32 @p1 $0xA0C0  }
0x111: {  	[tilespmem:s6], [sflag:$0x7] =	stream.indirect.gather @p1 [spmem:s2], $0x80, s16, s5, $0xb8;
	[tilespmem:$0xF0C0] =	vst v63  }
0x112: {  	s6 =	simm.s32 @p1 $0x12  }
0x113: {  	_ =	swait.ge @p1 [sflag:s6], $0x1400  }
0x114: {  	[sflag:s6] =	ssyncset.done @p1 $0x0  }
0x115: {  	[sflag:s6] =	ssyncadd.s32 @p1 $0xFFFFEC00;
	s6 =	simm.s32 @p1 $0xB4C0  }
0x116: {  	[tilespmem:s6], [sflag:$0x8] =	stream.indirect.gather @p1 [spmem:s2], $0x80, s11, s5, $0xb8;
	[tilespmem:$0xF0C0] =	vst v63  }
0x117: {  	s6 =	simm.s32 @p1 $0x13  }
0x118: {  	_ =	swait.ge @p1 [sflag:s6], $0x1400  }
0x119: {  	[sflag:s6] =	ssyncset.done @p1 $0x0  }
0x11a: {  	[sflag:s6] =	ssyncadd.s32 @p1 $0xFFFFEC00;
	s6 =	simm.s32 @p1 $0xC8C0  }
0x11b: {  	[tilespmem:s6], [sflag:$0x9] =	stream.indirect.gather @p1 [spmem:s2], $0x80, s12, s5, $0xb8;
	[tilespmem:$0xF0C0] =	vst v63  }
0x11c: {  	s5 =	simm.s32 @p1 $0x14  }
0x11d: {  	_ =	swait.ge @p1 [sflag:s5], $0x1400  }
0x11e: {  	s11 =	simm.s32 @!p1 $0x208;
	[sflag:s5] =	ssyncset.done @p1 $0x0  }
0x11f: {  	s6 =	simm.s32 @!p1 $0x8CC0;
	[sflag:s5] =	ssyncadd.s32 @p1 $0xFFFFEC00;
	s5 =	simm.s32 @!p1 $0x28  }
0x120: {  	[tilespmem:s6], [sflag:$0x6] =	stream.indirect.gather @!p1 [spmem:s2], $0x80, s11, s5, $0xb8;
	[tilespmem:$0xF0C0] =	vst v63  }
0x121: {  	s6 =	simm.s32 @!p1 $0x230;
	s11 =	simm.s32 @!p1 $0xA0C0  }
0x122: {  	[tilespmem:s11], [sflag:$0x7] =	stream.indirect.gather @!p1 [spmem:s2], $0x80, s6, s5, $0xb8;
	[tilespmem:$0xF0C0] =	vst v63  }
0x123: {  	s6 =	simm.s32 @!p1 $0x258;
	s11 =	simm.s32 @!p1 $0xB4C0  }
0x124: {  	[tilespmem:s11], [sflag:$0x8] =	stream.indirect.gather @!p1 [spmem:s2], $0x80, s6, s5, $0xb8;
	[tilespmem:$0xF0C0] =	vst v63  }
0x125: {  	s1 =	simm.s32 @!p1 $0x0;
	s6 =	simm.s32 @!p1 $0x280;
	s11 =	simm.s32 @!p1 $0xC8C0  }
0x126: {  	[tilespmem:s11], [sflag:$0x9] =	stream.indirect.gather @!p1 [spmem:s2], $0x80, s6, s5, $0xb8;
	[tilespmem:$0xF0C0] =	vst v63  }
0x127: {  	s30 =	sadd.s32 $0x1E0, s9;
	s31 =	simm.s32 $0x28;
	s9 =	simm.s32 $0x1  }
0x128: {  	[tilespmem:s13], [sflag:$0xA] =	stream.indirect.gather [spmem:s2], $0x80, s30, s31, $0xb8;
	[tilespmem:$0xF0C0] =	vst v63  }
0x129: {  	s11 =	sadd.s32 s4, s1;
	_ =	swait.ge [sflag:s9], $0x1400  }
0x12a: {  	s16 =	simm.s32 $0x2;
	s5 =	sshll.u32 s11, $0x4;
	[sflag:s9] =	ssyncset.done $0x0  }
0x12b: {  	s12 =	simm.s32 $0x28C0;
	s5 =	sadd.s32 s0, s5;
	[sflag:s9] =	ssyncadd.s32 $0xFFFFEC00  }
0x12c: {  	[hbm4b:s5+s3] =	stream.linear.scatter [tilespmem:s12], [sflag:$0xB], $0x1400, $0x38;
	[tilespmem:$0xF0C0] =	vst v63  }
0x12d: {  	_ =	swait.ge [sflag:s16], $0x1400  }
0x12e: {  	s18 =	rddreg [dreg:$0x5]  }
0x12f: {  	s5 =	sadd.s32 s1, s18  }
0x130: {  	s21 =	simm.s32 $0x3;
	[sflag:s16] =	ssyncset.done $0x0;
	s5 =	sshll.u32 s5, $0x4  }
0x131: {  	s20 =	simm.s32 $0x3CC0;
	[sflag:s16] =	ssyncadd.s32 $0xFFFFEC00;
	s5 =	sadd.s32 s0, s5  }
0x132: {  	[hbm4b:s5+s3] =	stream.linear.scatter [tilespmem:s20], [sflag:$0xC], $0x1400, $0x38;
	[tilespmem:$0xF0C0] =	vst v63  }
0x133: {  	_ =	swait.ge [sflag:s21], $0x1400  }
0x134: {  	s22 =	rddreg [dreg:$0x6]  }
0x135: {  	s5 =	sadd.s32 s1, s22  }
0x136: {  	s23 =	simm.s32 $0x50C0;
	[sflag:s21] =	ssyncset.done $0x0;
	s5 =	sshll.u32 s5, $0x4  }
0x137: {  	s24 =	simm.s32 $0x4;
	[sflag:s21] =	ssyncadd.s32 $0xFFFFEC00;
	s5 =	sadd.s32 s0, s5  }
0x138: {  	[hbm4b:s5+s3] =	stream.linear.scatter [tilespmem:s23], [sflag:$0xD], $0x1400, $0x38;
	[tilespmem:$0xF0C0] =	vst v63  }
0x139: {  	_ =	swait.ge [sflag:s24], $0x1400  }
0x13a: {  	s25 =	rddreg [dreg:$0x7]  }
0x13b: {  	s5 =	sadd.s32 s1, s25  }
0x13c: {  	s26 =	simm.s32 $0x64C0;
	[sflag:s24] =	ssyncset.done $0x0;
	s5 =	sshll.u32 s5, $0x4  }
0x13d: {  	s28 =	simm.s32 $0x5;
	[sflag:s24] =	ssyncadd.s32 $0xFFFFEC00;
	s5 =	sadd.s32 s0, s5  }
0x13e: {  	[hbm4b:s5+s3] =	stream.linear.scatter [tilespmem:s26], [sflag:$0xE], $0x1400, $0x38;
	[tilespmem:$0xF0C0] =	vst v63  }
0x13f: {  	_ =	swait.ge [sflag:s28], $0x1400  }
0x140: {  	s29 =	rddreg [dreg:$0x8]  }
0x141: {  	s1 =	sadd.s32 s1, s29  }
0x142: {  	s30 =	simm.s32 $0x78C0;
	[sflag:s28] =	ssyncset.done $0x0;
	s1 =	sshll.u32 s1, $0x4  }
0x143: {  	s31 =	simm.s32 $0xB;
	[sflag:s28] =	ssyncadd.s32 $0xFFFFEC00;
	s1 =	sadd.s32 s0, s1  }
0x144: {  	[hbm4b:s1+s3] =	stream.linear.scatter [tilespmem:s30], [sflag:$0xF], $0x1400, $0x38;
	[tilespmem:$0xF0C0] =	vst v63  }
0x145: {  	p1 =	sne.s32 s19, $0x9600;
	_ =	swait.ge [sflag:s31], $0x1400  }
0x146: {  	s9 =	simm.s32 @p1 $0x28C0;
	s1 =	sshra.s32 @p1 s19, $0x2;
	[sflag:s31] =	ssyncset.done $0x0  }
0x147: {  	s5 =	simm.s32 @p1 $0x28;
	s6 =	sadd.s32 @p1 $0x2D0, s1;
	[sflag:s31] =	ssyncadd.s32 $0xFFFFEC00  }
0x148: {  	[tilespmem:s9], [sflag:$0x1] =	stream.indirect.gather @p1 [spmem:s2], $0x80, s6, s5, $0xb8;
	[tilespmem:$0xF0C0] =	vst v63  }
0x149: {  	s6 =	simm.s32 @p1 $0xC  }
0x14a: {  	_ =	swait.ge @p1 [sflag:s6], $0x1400  }
0x14b: {  	[sflag:s6] =	ssyncset.done @p1 $0x0  }
0x14c: {  	s9 =	sadd.s32 @p1 $0x2F8, s1;
	[sflag:s6] =	ssyncadd.s32 @p1 $0xFFFFEC00;
	s6 =	simm.s32 @p1 $0x3CC0  }
0x14d: {  	[tilespmem:s6], [sflag:$0x2] =	stream.indirect.gather @p1 [spmem:s2], $0x80, s9, s5, $0xb8;
	[tilespmem:$0xF0C0] =	vst v63  }
0x14e: {  	s6 =	simm.s32 @p1 $0xD  }
0x14f: {  	_ =	swait.ge @p1 [sflag:s6], $0x1400  }
0x150: {  	[sflag:s6] =	ssyncset.done @p1 $0x0  }
0x151: {  	s9 =	sadd.s32 @p1 $0x320, s1;
	[sflag:s6] =	ssyncadd.s32 @p1 $0xFFFFEC00;
	s6 =	simm.s32 @p1 $0x50C0  }
0x152: {  	[tilespmem:s6], [sflag:$0x3] =	stream.indirect.gather @p1 [spmem:s2], $0x80, s9, s5, $0xb8;
	[tilespmem:$0xF0C0] =	vst v63  }
0x153: {  	s6 =	simm.s32 @p1 $0xE  }
0x154: {  	_ =	swait.ge @p1 [sflag:s6], $0x1400  }
0x155: {  	[sflag:s6] =	ssyncset.done @p1 $0x0  }
0x156: {  	s9 =	sadd.s32 @p1 $0x348, s1;
	[sflag:s6] =	ssyncadd.s32 @p1 $0xFFFFEC00;
	s6 =	simm.s32 @p1 $0x64C0  }
0x157: {  	[tilespmem:s6], [sflag:$0x4] =	stream.indirect.gather @p1 [spmem:s2], $0x80, s9, s5, $0xb8;
	[tilespmem:$0xF0C0] =	vst v63  }
0x158: {  	s6 =	simm.s32 @p1 $0xF  }
0x159: {  	_ =	swait.ge @p1 [sflag:s6], $0x1400  }
0x15a: {  	[sflag:s6] =	ssyncset.done @p1 $0x0  }
0x15b: {  	s1 =	sadd.s32 @p1 $0x370, s1;
	[sflag:s6] =	ssyncadd.s32 @p1 $0xFFFFEC00;
	s6 =	simm.s32 @p1 $0x78C0  }
0x15c: {  	[tilespmem:s6], [sflag:$0x5] =	stream.indirect.gather @p1 [spmem:s2], $0x80, s1, s5, $0xb8;
	[tilespmem:$0xF0C0] =	vst v63  }
0x15d: {  	s1 =	simm.s32 @!p1 $0xC  }
0x15e: {  	_ =	swait.ge @!p1 [sflag:s1], $0x1400  }
0x15f: {  	[sflag:s1] =	ssyncset.done @!p1 $0x0  }
0x160: {  	[sflag:s1] =	ssyncadd.s32 @!p1 $0xFFFFEC00;
	s1 =	simm.s32 @!p1 $0xD  }
0x161: {  	_ =	swait.ge @!p1 [sflag:s1], $0x1400  }
0x162: {  	[sflag:s1] =	ssyncset.done @!p1 $0x0  }
0x163: {  	[sflag:s1] =	ssyncadd.s32 @!p1 $0xFFFFEC00;
	s1 =	simm.s32 @!p1 $0xE  }
0x164: {  	_ =	swait.ge @!p1 [sflag:s1], $0x1400  }
0x165: {  	[sflag:s1] =	ssyncset.done @!p1 $0x0  }
0x166: {  	[sflag:s1] =	ssyncadd.s32 @!p1 $0xFFFFEC00;
	s1 =	simm.s32 @!p1 $0xF  }
0x167: {  	_ =	swait.ge @!p1 [sflag:s1], $0x1400  }
0x168: {  	[sflag:s1] =	ssyncset.done @!p1 $0x0  }
0x169: {  	[sflag:s1] =	ssyncadd.s32 @!p1 $0xFFFFEC00;
	s1 =	simm.s32 $0x6  }
0x16a: {  	_ =	swait.ge [sflag:s1], $0x1400  }
0x16b: {  	s8 =	sadd.s32 s0, s8;
	[sflag:s1] =	ssyncset.done $0x0  }
0x16c: {  	s9 =	simm.s32 $0x7;
	s6 =	rddreg [dreg:$0x9];
	[sflag:s1] =	ssyncadd.s32 $0xFFFFEC00  }
0x16d: {  	[hbm4b:s8+s3] =	stream.linear.scatter [tilespmem:s6], [sflag:$0x10], $0x1400, $0x38;
	[tilespmem:$0xF0C0] =	vst v63  }
0x16e: {  	_ =	swait.ge [sflag:s9], $0x1400  }
0x16f: {  	s12 =	sadd.s32 s0, s10;
	[sflag:s9] =	ssyncset.done $0x0  }
0x170: {  	s16 =	simm.s32 $0x8;
	s11 =	rddreg [dreg:$0xa];
	[sflag:s9] =	ssyncadd.s32 $0xFFFFEC00  }
0x171: {  	[hbm4b:s12+s3] =	stream.linear.scatter [tilespmem:s11], [sflag:$0x11], $0x1400, $0x38;
	[tilespmem:$0xF0C0] =	vst v63  }
0x172: {  	_ =	swait.ge [sflag:s16], $0x1400  }
0x173: {  	s20 =	simm.s32 $0x9;
	[sflag:s16] =	ssyncset.done $0x0  }
0x174: {  	s19 =	sadd.s32 s0, s15;
	s18 =	rddreg [dreg:$0xb];
	[sflag:s16] =	ssyncadd.s32 $0xFFFFEC00  }
0x175: {  	[hbm4b:s19+s3] =	stream.linear.scatter [tilespmem:s18], [sflag:$0x12], $0x1400, $0x38;
	[tilespmem:$0xF0C0] =	vst v63  }
0x176: {  	_ =	swait.ge [sflag:s20], $0x1400  }
0x177: {  	[sflag:s20] =	ssyncset.done $0x0  }
0x178: {  	s22 =	sadd.s32 s0, s17;
	s21 =	rddreg [dreg:$0xc];
	[sflag:s20] =	ssyncadd.s32 $0xFFFFEC00  }
0x179: {  	[hbm4b:s22+s3] =	stream.linear.scatter [tilespmem:s21], [sflag:$0x13], $0x1400, $0x38;
	[tilespmem:$0xF0C0] =	vst v63  }
0x17a: {  	_ =	swait.ge [sflag:s14], $0x1400  }
0x17b: {  	[sflag:s14] =	ssyncset.done $0x0  }
0x17c: {  	s23 =	sadd.s32 s0, s7;
	s24 =	simm.s32 $0x10;
	[sflag:s14] =	ssyncadd.s32 $0xFFFFEC00  }
0x17d: {  	[hbm4b:s23+s3] =	stream.linear.scatter [tilespmem:s13], [sflag:$0x14], $0x1400, $0x38;
	[tilespmem:$0xF0C0] =	vst v63  }
0x17e: {  	_ =	swait.ge [sflag:s24], $0x1400  }
0x17f: {  	[sflag:s24] =	ssyncset.done $0x0  }
0x180: {  	s25 =	simm.s32 $0x11;
	[sflag:s24] =	ssyncadd.s32 $0xFFFFEC00  }
0x181: {  	_ =	swait.ge [sflag:s25], $0x1400  }
0x182: {  	[sflag:s25] =	ssyncset.done $0x0  }
0x183: {  	s26 =	simm.s32 $0x12;
	[sflag:s25] =	ssyncadd.s32 $0xFFFFEC00  }
0x184: {  	_ =	swait.ge [sflag:s26], $0x1400  }
0x185: {  	[sflag:s26] =	ssyncset.done $0x0  }
0x186: {  	s28 =	simm.s32 $0x13;
	[sflag:s26] =	ssyncadd.s32 $0xFFFFEC00  }
0x187: {  	_ =	swait.ge [sflag:s28], $0x1400  }
0x188: {  	[sflag:s28] =	ssyncset.done $0x0  }
0x189: {  	s29 =	simm.s32 $0x14;
	[sflag:s28] =	ssyncadd.s32 $0xFFFFEC00  }
0x18a: {  	_ =	swait.ge [sflag:s29], $0x1400  }
0x18b: {  	s30 =	rddreg [dreg:$0x11]  }
0x18c: {  	s31 =	rddreg [dreg:$0xf];
	s6 =	sadd.s32 $0x1, s30  }
0x18d: {  	p1 =	sne.s32 s6, s31  }
.Ltmp1:
0x18e: {  	_ = 	snop;
	(pc) =	sbr.rel @p1 .LBB2_1-.Ltmp1, $3  }
0x18f: {  	_ =	sdelay $0x1  }
0x190: {  	[sflag:s29] =	ssyncset.done $0x0  }
0x191: {  	s14 =	simm.s32 $0xDCC0;
	[sflag:s29] =	ssyncadd.s32 $0xFFFFEC00  }
0x192: {  	_ =	sfence.sel $0x180000  }
0x193: {  	[bflag:$0x0] =	sbarrier.arrive $0xFFFF  }
0x194: {  	_ =	strace $0x90000047  }
0x195: {  	[bflag:$0x2] =	sbarrier.arrive $0xFFFF  }
0x196: {  	s0 =	rddreg [dreg:$0x4]  }
0x197: {  	s0 =	sadd.s32 @!p0 $0x100000, s0  }
0x198: {  	[sflag:s0] =	ssyncadd.tile.s32 @!p0 $0x1;
	_ =	shalt  }
.Lfunc_end2:
_tile_overlayer_lowered:
.L_overlay_start_2:
0x199: {  	(tag) =	ssettag $0x2  }
0x19a: {  	s0 =	rddreg [dreg:$0x0];
	s2 =	stileid.u32  }
0x19b: {  	s1 =	rddreg [dreg:$0x1];
	p0 =	sne.s32 s2, $0x0  }
0x19c: {  	s3 =	rddreg [dreg:$0x2];
	[bflag:$0x3] =	sbarrier.arrive $0xFFFF;
	s2 =	simm.s32 @!p0 $0x1C15  }
0x19d: {  	[timem:s3], [sflag:s2] =	dma.local @!p0 [hbm:s0], s1  }
0x19e: {  	s0 =	simm.s32 @!p0 $0x15  }
0x19f: {  	_ =	swait.ge @!p0 [sflag:s0], s1  }
0x1a0: {  	s1 =	ssub.s32 @!p0 $0x0, s1;
	[sflag:s0] =	ssyncset.done @!p0 $0x0  }
0x1a1: {  	[sflag:s0] =	ssyncadd.s32 @!p0 s1  }
0x1a2: {  	[bflag:$0x3] =	sbarrier.arrive $0xFFFF  }
0x1a3: {  	_ =	shalt  }

</sc_bundles>
